<compile_context>
chip_gen: v7x
topology: tpu7x:2x2x1
jax: 0.10.2.dev20260603
libtpu: 0.0.44.dev20260713+nightly
codegen_flags: <defaults>
</compile_context>

<pallas_src>
import functools

import jax
import jax.numpy as jnp
from jax import lax
from jax.experimental import pallas as pl
from jax.experimental.pallas import tpu as pltpu
from jax.experimental.pallas import tpu_sc as plsc

B, L, D = 1024, 50, 768
N = B * L
EPS = 1e-12

NC, NS = 2, 16
NW = NC * NS
SPW = B // NW
LP = 56
NBUF = 3


def _sc_gather(ids3, table):
    mesh = plsc.VectorSubcoreMesh(core_axis_name="c", subcore_axis_name="s")

    @functools.partial(
        pl.kernel,
        mesh=mesh,
        out_type=jax.ShapeDtypeStruct((B * LP, D), jnp.float32),
        scratch_types=[
            pltpu.VMEM((SPW, LP), jnp.int32),
            pltpu.VMEM((LP, D), jnp.float32),
            pltpu.VMEM((LP, D), jnp.float32),
            pltpu.SemaphoreType.DMA,
            pltpu.SemaphoreType.DMA,
            pltpu.SemaphoreType.DMA,
            pltpu.SemaphoreType.DMA,
        ],
    )
    def k(ids_hbm, table_hbm, out_hbm, idx_v, rows_a, rows_b, gs_a, gs_b,
          os_a, os_b):
        wid = lax.axis_index("s") * NC + lax.axis_index("c")
        seq0 = wid * SPW

        pltpu.sync_copy(ids_hbm.at[wid], idx_v)

        rows = (rows_a, rows_b)
        gsem = (gs_a, gs_b)
        osem = (os_a, os_b)

        def gather_start(p, buf):
            pltpu.make_async_copy(
                table_hbm.at[idx_v.at[p]],
                rows[buf], gsem[buf]).start()

        def gather_wait(buf):
            pltpu.make_async_copy(
                table_hbm.at[idx_v.at[0]],
                rows[buf], gsem[buf]).wait()

        def out_start(p, buf):
            pltpu.make_async_copy(
                rows[buf], out_hbm.at[pl.ds((seq0 + p) * LP, LP)],
                osem[buf]).start()

        def out_wait(buf):
            pltpu.make_async_copy(
                rows[buf], out_hbm.at[pl.ds(0, LP)], osem[buf]).wait()

        gather_start(0, 0)
        gather_start(1, 1)

        def loop_body(pp, c):
            for buf in range(2):
                p = pp * 2 + buf
                gather_wait(buf)
                out_start(p, buf)
                out_wait(buf)
                gather_start(p + 2, buf)
            return c

        lax.fori_loop(0, SPW // 2 - 1, loop_body, 0)
        for buf in range(2):
            p = SPW - 2 + buf
            gather_wait(buf)
            out_start(p, buf)
            out_wait(buf)

    return k(ids3, table)


SB = 32


def _ln_body(x_ref, padd_ref, g_ref, bta_ref, o_ref):
    e = x_ref[:, :L, :] + padd_ref[...][None, :, :]
    mu = jnp.mean(e, axis=-1, keepdims=True)
    d = e - mu
    var = jnp.mean(d * d, axis=-1, keepdims=True)
    o_ref[...] = d * lax.rsqrt(var + EPS) * g_ref[...][None, :, :] \
        + bta_ref[...][None, :, :]


def _tc_add_ln(stag, padd, gamma2, beta2):
    return pl.pallas_call(
        _ln_body,
        grid=(B // SB,),
        in_specs=[
            pl.BlockSpec((SB, LP, D), lambda i: (i, 0, 0)),
            pl.BlockSpec((L, D), lambda i: (0, 0)),
            pl.BlockSpec((1, D), lambda i: (0, 0)),
            pl.BlockSpec((1, D), lambda i: (0, 0)),
        ],
        out_specs=pl.BlockSpec((SB, L, D), lambda i: (i, 0, 0)),
        out_shape=jax.ShapeDtypeStruct((B, L, D), jnp.float32),
        compiler_params=pltpu.CompilerParams(
            dimension_semantics=("arbitrary",),
        ),
    )(stag, padd, gamma2, beta2)


def kernel(input_ids, word_emb, pos_emb, type_emb, ln_gamma, ln_beta):
    ids32 = input_ids.astype(jnp.int32)
    ids_p = jnp.concatenate([ids32, ids32[:, :LP - L]], axis=1)
    ids3 = ids_p.reshape(NW, SPW, LP)
    stag = _sc_gather(ids3, word_emb).reshape(B, LP, D)
    padd = pos_emb[:L] + type_emb[0][None, :]
    return _tc_add_ln(stag, padd, ln_gamma.reshape(1, D),
                      ln_beta.reshape(1, D))

# --- scband reference (transcript-rebuilt; emitter-appended) ---
"""Pipeline reference for scband-history-encoder-57423712748077 (READ-ONLY COPY).

The authoritative reference and input builder live on the scoring server;
editing this copy changes nothing except your own understanding.
"""

import jax, jax.numpy as jnp
import numpy as np

VOCAB = 30522
MAXPOS = 512
D = 768
EPS = 1e-12
B = 1024
L = 50

def setup_inputs(seed: int = 0) -> dict:
    key = jax.random.key(seed)
    k1, k2, k3, k4 = jax.random.split(key, 4)
    inp = {}
    inp["input_ids"] = jax.random.randint(k1, (B, L), 0, VOCAB)
    inp["word_emb"] = jax.random.normal(k2, (VOCAB, D), dtype=jnp.float32) * 0.02
    inp["pos_emb"] = jax.random.normal(k3, (MAXPOS, D), dtype=jnp.float32) * 0.02
    inp["type_emb"] = jax.random.normal(k4, (2, D), dtype=jnp.float32) * 0.02
    inp["ln_gamma"] = jnp.ones((D,), dtype=jnp.float32)
    inp["ln_beta"] = jnp.zeros((D,), dtype=jnp.float32)
    return inp

def reference(input_ids, word_emb, pos_emb, type_emb, ln_gamma, ln_beta):
    # BertEmbeddings: word + position + token_type embeddings, then LayerNorm
    seq_len = input_ids.shape[1]
    e = jnp.take(word_emb, input_ids, axis=0)              # gather: [B, L, D]
    e = e + pos_emb[:seq_len][None, :, :]                  # position embeddings (position_ids=None -> arange)
    e = e + type_emb[0][None, None, :]                     # token_type_ids default zeros
    mu = jnp.mean(e, axis=-1, keepdims=True)
    var = jnp.var(e, axis=-1, keepdims=True)
    out = (e - mu) / jnp.sqrt(var + EPS) * ln_gamma + ln_beta
    return out

if __name__ == "__main__":
    import jax
    _d = setup_inputs()
    print(jax.jit(kernel)(*tuple(_d.values())))

</pallas_src>

<mosaic_0001>
#map = affine_map<(d0, d1) -> (0, 0, 0)>
#map1 = affine_map<(d0, d1) -> (0, 0)>
module attributes {stable_mosaic.version = 14 : i64} {
  func.func @k(%arg0: i32, %arg1: i32, %arg2: memref<32x32x56xi32, #tpu.memory_space<hbm>>, %arg3: memref<30522x768xf32, #tpu.memory_space<hbm>>, %arg4: memref<57344x768xf32, #tpu.memory_space<hbm>>, %arg5: memref<32x56xi32, #tpu.memory_space<vmem>>, %arg6: memref<56x768xf32, #tpu.memory_space<vmem>>, %arg7: memref<56x768xf32, #tpu.memory_space<vmem>>, %arg8: memref<!tpu.dma_semaphore, #tpu.memory_space<semaphore_mem>>, %arg9: memref<!tpu.dma_semaphore, #tpu.memory_space<semaphore_mem>>, %arg10: memref<!tpu.dma_semaphore, #tpu.memory_space<semaphore_mem>>, %arg11: memref<!tpu.dma_semaphore, #tpu.memory_space<semaphore_mem>>) attributes {dimension_semantics = [#tpu.dimension_semantics<core_parallel>, #tpu.dimension_semantics<subcore_parallel>], iteration_bounds = array<i64: 2, 16>, scalar_prefetch = 0 : i64, scratch_operands = 7 : i64, tpu.core_type = #tpu.core_type<sc_vector_subcore>, window_params = [{transform_indices = #map}, {transform_indices = #map1}, {transform_indices = #map1}]} {
    %mul3A = arith.constant 2 : i32
    %mul3A_0 = arith.muli %arg1, %mul3A : i32
    %add3A = arith.addi %mul3A_0, %arg0 : i32
    %mul3A_1 = arith.constant 32 : i32
    %mul3A_2 = arith.muli %add3A, %mul3A_1 : i32
    "tpu.region"() ({
      %run_scoped3A = tpu.sem_alloc : memref<!tpu.dma_semaphore, #tpu.memory_space<semaphore_mem>>
      %dma_start3A_62 = arith.constant 0 : i32
      %dma_start3A_63 = arith.constant 0 : i32
      %dma_start3A_64 = tpu.memref_slice %arg2[%add3A, %dma_start3A_62, %dma_start3A_63] : memref<32x32x56xi32, #tpu.memory_space<hbm>> -> memref<1x32x56xi32, #tpu.memory_space<hbm>>
      %dma_start3A_65 = tpu.memref_squeeze %dma_start3A_64 : memref<1x32x56xi32, #tpu.memory_space<hbm>> -> memref<32x56xi32, #tpu.memory_space<hbm>>
      %dma_start3A_66 = arith.constant 0 : i32
      %dma_start3A_67 = arith.constant 0 : i32
      %dma_start3A_68 = tpu.memref_slice %arg2[%add3A, %dma_start3A_66, %dma_start3A_67] : memref<32x32x56xi32, #tpu.memory_space<hbm>> -> memref<1x32x56xi32, #tpu.memory_space<hbm>>
      %dma_start3A_69 = tpu.memref_squeeze %dma_start3A_68 : memref<1x32x56xi32, #tpu.memory_space<hbm>> -> memref<32x56xi32, #tpu.memory_space<hbm>>
      tpu.enqueue_dma source(%dma_start3A_69 : memref<32x56xi32, #tpu.memory_space<hbm>>) target(%arg5 : memref<32x56xi32, #tpu.memory_space<vmem>>) target_semaphore(%run_scoped3A : memref<!tpu.dma_semaphore, #tpu.memory_space<semaphore_mem>>)
      %dma_wait3A_70 = arith.constant 0 : i32
      %dma_wait3A_71 = arith.constant 0 : i32
      %dma_wait3A_72 = tpu.memref_slice %arg2[%add3A, %dma_wait3A_70, %dma_wait3A_71] : memref<32x32x56xi32, #tpu.memory_space<hbm>> -> memref<1x32x56xi32, #tpu.memory_space<hbm>>
      %dma_wait3A_73 = tpu.memref_squeeze %dma_wait3A_72 : memref<1x32x56xi32, #tpu.memory_space<hbm>> -> memref<32x56xi32, #tpu.memory_space<hbm>>
      %dma_wait3A_74 = arith.constant 0 : i32
      %dma_wait3A_75 = arith.constant 0 : i32
      %dma_wait3A_76 = tpu.memref_slice %arg2[%add3A, %dma_wait3A_74, %dma_wait3A_75] : memref<32x32x56xi32, #tpu.memory_space<hbm>> -> memref<1x32x56xi32, #tpu.memory_space<hbm>>
      %dma_wait3A_77 = tpu.memref_squeeze %dma_wait3A_76 : memref<1x32x56xi32, #tpu.memory_space<hbm>> -> memref<32x56xi32, #tpu.memory_space<hbm>>
      tpu.wait_dma2 semaphore(%run_scoped3A : memref<!tpu.dma_semaphore, #tpu.memory_space<semaphore_mem>>) src(%dma_wait3A_77 : memref<32x56xi32, #tpu.memory_space<hbm>>) dst(%arg5 : memref<32x56xi32, #tpu.memory_space<vmem>>)
      tpu.yield
    }) : () -> ()
    %dma_start3A = arith.constant 0 : i32
    %dma_start3A_3 = arith.constant 0 : i32
    %dma_start3A_4 = tpu.memref_slice %arg5[%dma_start3A, %dma_start3A_3] : memref<32x56xi32, #tpu.memory_space<vmem>> -> memref<1x56xi32, #tpu.memory_space<vmem>>
    %dma_start3A_5 = tpu.memref_squeeze %dma_start3A_4 : memref<1x56xi32, #tpu.memory_space<vmem>> -> memref<56xi32, #tpu.memory_space<vmem>>
    %dma_start3A_6 = arith.constant 0 : i32
    %dma_start3A_7 = arith.constant 0 : i32
    %dma_start3A_8 = tpu.memref_slice %arg3[%dma_start3A_6, %dma_start3A_7] : memref<30522x768xf32, #tpu.memory_space<hbm>> -> memref<30522x768xf32, #tpu.memory_space<hbm>>
    tpu.enqueue_indirect_dma source(%dma_start3A_8 : memref<30522x768xf32, #tpu.memory_space<hbm>>) target(%arg6 : memref<56x768xf32, #tpu.memory_space<vmem>>) offsets(%dma_start3A_5 : memref<56xi32, #tpu.memory_space<vmem>>) semaphore(%arg8 : memref<!tpu.dma_semaphore, #tpu.memory_space<semaphore_mem>>)
    %dma_start3A_9 = arith.constant 1 : i32
    %dma_start3A_10 = arith.constant 0 : i32
    %dma_start3A_11 = tpu.memref_slice %arg5[%dma_start3A_9, %dma_start3A_10] : memref<32x56xi32, #tpu.memory_space<vmem>> -> memref<1x56xi32, #tpu.memory_space<vmem>>
    %dma_start3A_12 = tpu.memref_squeeze %dma_start3A_11 : memref<1x56xi32, #tpu.memory_space<vmem>> -> memref<56xi32, #tpu.memory_space<vmem>>
    %dma_start3A_13 = arith.constant 0 : i32
    %dma_start3A_14 = arith.constant 0 : i32
    %dma_start3A_15 = tpu.memref_slice %arg3[%dma_start3A_13, %dma_start3A_14] : memref<30522x768xf32, #tpu.memory_space<hbm>> -> memref<30522x768xf32, #tpu.memory_space<hbm>>
    tpu.enqueue_indirect_dma source(%dma_start3A_15 : memref<30522x768xf32, #tpu.memory_space<hbm>>) target(%arg7 : memref<56x768xf32, #tpu.memory_space<vmem>>) offsets(%dma_start3A_12 : memref<56xi32, #tpu.memory_space<vmem>>) semaphore(%arg9 : memref<!tpu.dma_semaphore, #tpu.memory_space<semaphore_mem>>)
    %scan3A = arith.constant 0 : i32
    %scan3A_16 = arith.constant 0 : i32
    %scan3A_17 = arith.constant 15 : i32
    %scan3A_18 = arith.addi %scan3A_16, %scan3A_17 : i32
    %scan3A_19 = arith.constant 1 : i32
    scf.for %scan3A_62 = %scan3A_16 to %scan3A_18 step %scan3A_19  : i32 {
      %mul3A_63 = arith.constant 2 : i32
      %mul3A_64 = arith.muli %scan3A_62, %mul3A_63 : i32
      %add3A_65 = arith.constant 0 : i32
      %add3A_66 = arith.addi %mul3A_64, %add3A_65 : i32
      %dma_wait3A_67 = arith.constant 0 : i32
      %dma_wait3A_68 = arith.constant 0 : i32
      %dma_wait3A_69 = tpu.memref_slice %arg5[%dma_wait3A_67, %dma_wait3A_68] : memref<32x56xi32, #tpu.memory_space<vmem>> -> memref<1x56xi32, #tpu.memory_space<vmem>>
      %dma_wait3A_70 = tpu.memref_squeeze %dma_wait3A_69 : memref<1x56xi32, #tpu.memory_space<vmem>> -> memref<56xi32, #tpu.memory_space<vmem>>
      %dma_wait3A_71 = arith.constant 0 : i32
      %dma_wait3A_72 = arith.constant 0 : i32
      %dma_wait3A_73 = tpu.memref_slice %arg3[%dma_wait3A_71, %dma_wait3A_72] : memref<30522x768xf32, #tpu.memory_space<hbm>> -> memref<30522x768xf32, #tpu.memory_space<hbm>>
      tpu.wait_indirect_dma semaphore(%arg8 : memref<!tpu.dma_semaphore, #tpu.memory_space<semaphore_mem>>) src(%dma_wait3A_73 : memref<30522x768xf32, #tpu.memory_space<hbm>>) dst(%arg6 : memref<56x768xf32, #tpu.memory_space<vmem>>)
      %add3A_74 = arith.addi %mul3A_2, %add3A_66 : i32
      %mul3A_75 = arith.constant 56 : i32
      %mul3A_76 = arith.muli %add3A_74, %mul3A_75 : i32
      %dma_start3A_77 = arith.constant 0 : i32
      %dma_start3A_78 = tpu.memref_slice %arg4[%mul3A_76, %dma_start3A_77] : memref<57344x768xf32, #tpu.memory_space<hbm>> -> memref<56x768xf32, #tpu.memory_space<hbm>>
      %dma_start3A_79 = arith.constant 0 : i32
      %dma_start3A_80 = tpu.memref_slice %arg4[%mul3A_76, %dma_start3A_79] : memref<57344x768xf32, #tpu.memory_space<hbm>> -> memref<56x768xf32, #tpu.memory_space<hbm>>
      tpu.enqueue_dma source(%arg6 : memref<56x768xf32, #tpu.memory_space<vmem>>) target(%dma_start3A_80 : memref<56x768xf32, #tpu.memory_space<hbm>>) target_semaphore(%arg10 : memref<!tpu.dma_semaphore, #tpu.memory_space<semaphore_mem>>)
      %dma_wait3A_81 = arith.constant 0 : i32
      %dma_wait3A_82 = arith.constant 0 : i32
      %dma_wait3A_83 = tpu.memref_slice %arg4[%dma_wait3A_81, %dma_wait3A_82] : memref<57344x768xf32, #tpu.memory_space<hbm>> -> memref<56x768xf32, #tpu.memory_space<hbm>>
      %dma_wait3A_84 = arith.constant 0 : i32
      %dma_wait3A_85 = arith.constant 0 : i32
      %dma_wait3A_86 = tpu.memref_slice %arg4[%dma_wait3A_84, %dma_wait3A_85] : memref<57344x768xf32, #tpu.memory_space<hbm>> -> memref<56x768xf32, #tpu.memory_space<hbm>>
      tpu.wait_dma2 semaphore(%arg10 : memref<!tpu.dma_semaphore, #tpu.memory_space<semaphore_mem>>) src(%arg6 : memref<56x768xf32, #tpu.memory_space<vmem>>) dst(%dma_wait3A_86 : memref<56x768xf32, #tpu.memory_space<hbm>>)
      %add3A_87 = arith.constant 2 : i32
      %add3A_88 = arith.addi %add3A_66, %add3A_87 : i32
      %dma_start3A_89 = arith.constant 0 : i32
      %dma_start3A_90 = tpu.memref_slice %arg5[%add3A_88, %dma_start3A_89] : memref<32x56xi32, #tpu.memory_space<vmem>> -> memref<1x56xi32, #tpu.memory_space<vmem>>
      %dma_start3A_91 = tpu.memref_squeeze %dma_start3A_90 : memref<1x56xi32, #tpu.memory_space<vmem>> -> memref<56xi32, #tpu.memory_space<vmem>>
      %dma_start3A_92 = arith.constant 0 : i32
      %dma_start3A_93 = arith.constant 0 : i32
      %dma_start3A_94 = tpu.memref_slice %arg3[%dma_start3A_92, %dma_start3A_93] : memref<30522x768xf32, #tpu.memory_space<hbm>> -> memref<30522x768xf32, #tpu.memory_space<hbm>>
      tpu.enqueue_indirect_dma source(%dma_start3A_94 : memref<30522x768xf32, #tpu.memory_space<hbm>>) target(%arg6 : memref<56x768xf32, #tpu.memory_space<vmem>>) offsets(%dma_start3A_91 : memref<56xi32, #tpu.memory_space<vmem>>) semaphore(%arg8 : memref<!tpu.dma_semaphore, #tpu.memory_space<semaphore_mem>>)
      %mul3A_95 = arith.constant 2 : i32
      %mul3A_96 = arith.muli %scan3A_62, %mul3A_95 : i32
      %add3A_97 = arith.constant 1 : i32
      %add3A_98 = arith.addi %mul3A_96, %add3A_97 : i32
      %dma_wait3A_99 = arith.constant 0 : i32
      %dma_wait3A_100 = arith.constant 0 : i32
      %dma_wait3A_101 = tpu.memref_slice %arg5[%dma_wait3A_99, %dma_wait3A_100] : memref<32x56xi32, #tpu.memory_space<vmem>> -> memref<1x56xi32, #tpu.memory_space<vmem>>
      %dma_wait3A_102 = tpu.memref_squeeze %dma_wait3A_101 : memref<1x56xi32, #tpu.memory_space<vmem>> -> memref<56xi32, #tpu.memory_space<vmem>>
      %dma_wait3A_103 = arith.constant 0 : i32
      %dma_wait3A_104 = arith.constant 0 : i32
      %dma_wait3A_105 = tpu.memref_slice %arg3[%dma_wait3A_103, %dma_wait3A_104] : memref<30522x768xf32, #tpu.memory_space<hbm>> -> memref<30522x768xf32, #tpu.memory_space<hbm>>
      tpu.wait_indirect_dma semaphore(%arg9 : memref<!tpu.dma_semaphore, #tpu.memory_space<semaphore_mem>>) src(%dma_wait3A_105 : memref<30522x768xf32, #tpu.memory_space<hbm>>) dst(%arg7 : memref<56x768xf32, #tpu.memory_space<vmem>>)
      %add3A_106 = arith.addi %mul3A_2, %add3A_98 : i32
      %mul3A_107 = arith.constant 56 : i32
      %mul3A_108 = arith.muli %add3A_106, %mul3A_107 : i32
      %dma_start3A_109 = arith.constant 0 : i32
      %dma_start3A_110 = tpu.memref_slice %arg4[%mul3A_108, %dma_start3A_109] : memref<57344x768xf32, #tpu.memory_space<hbm>> -> memref<56x768xf32, #tpu.memory_space<hbm>>
      %dma_start3A_111 = arith.constant 0 : i32
      %dma_start3A_112 = tpu.memref_slice %arg4[%mul3A_108, %dma_start3A_111] : memref<57344x768xf32, #tpu.memory_space<hbm>> -> memref<56x768xf32, #tpu.memory_space<hbm>>
      tpu.enqueue_dma source(%arg7 : memref<56x768xf32, #tpu.memory_space<vmem>>) target(%dma_start3A_112 : memref<56x768xf32, #tpu.memory_space<hbm>>) target_semaphore(%arg11 : memref<!tpu.dma_semaphore, #tpu.memory_space<semaphore_mem>>)
      %dma_wait3A_113 = arith.constant 0 : i32
      %dma_wait3A_114 = arith.constant 0 : i32
      %dma_wait3A_115 = tpu.memref_slice %arg4[%dma_wait3A_113, %dma_wait3A_114] : memref<57344x768xf32, #tpu.memory_space<hbm>> -> memref<56x768xf32, #tpu.memory_space<hbm>>
      %dma_wait3A_116 = arith.constant 0 : i32
      %dma_wait3A_117 = arith.constant 0 : i32
      %dma_wait3A_118 = tpu.memref_slice %arg4[%dma_wait3A_116, %dma_wait3A_117] : memref<57344x768xf32, #tpu.memory_space<hbm>> -> memref<56x768xf32, #tpu.memory_space<hbm>>
      tpu.wait_dma2 semaphore(%arg11 : memref<!tpu.dma_semaphore, #tpu.memory_space<semaphore_mem>>) src(%arg7 : memref<56x768xf32, #tpu.memory_space<vmem>>) dst(%dma_wait3A_118 : memref<56x768xf32, #tpu.memory_space<hbm>>)
      %add3A_119 = arith.constant 2 : i32
      %add3A_120 = arith.addi %add3A_98, %add3A_119 : i32
      %dma_start3A_121 = arith.constant 0 : i32
      %dma_start3A_122 = tpu.memref_slice %arg5[%add3A_120, %dma_start3A_121] : memref<32x56xi32, #tpu.memory_space<vmem>> -> memref<1x56xi32, #tpu.memory_space<vmem>>
      %dma_start3A_123 = tpu.memref_squeeze %dma_start3A_122 : memref<1x56xi32, #tpu.memory_space<vmem>> -> memref<56xi32, #tpu.memory_space<vmem>>
      %dma_start3A_124 = arith.constant 0 : i32
      %dma_start3A_125 = arith.constant 0 : i32
      %dma_start3A_126 = tpu.memref_slice %arg3[%dma_start3A_124, %dma_start3A_125] : memref<30522x768xf32, #tpu.memory_space<hbm>> -> memref<30522x768xf32, #tpu.memory_space<hbm>>
      tpu.enqueue_indirect_dma source(%dma_start3A_126 : memref<30522x768xf32, #tpu.memory_space<hbm>>) target(%arg7 : memref<56x768xf32, #tpu.memory_space<vmem>>) offsets(%dma_start3A_123 : memref<56xi32, #tpu.memory_space<vmem>>) semaphore(%arg9 : memref<!tpu.dma_semaphore, #tpu.memory_space<semaphore_mem>>)
    }
    %scan3A_20 = arith.constant 15 : i32
    %dma_wait3A = arith.constant 0 : i32
    %dma_wait3A_21 = arith.constant 0 : i32
    %dma_wait3A_22 = tpu.memref_slice %arg5[%dma_wait3A, %dma_wait3A_21] : memref<32x56xi32, #tpu.memory_space<vmem>> -> memref<1x56xi32, #tpu.memory_space<vmem>>
    %dma_wait3A_23 = tpu.memref_squeeze %dma_wait3A_22 : memref<1x56xi32, #tpu.memory_space<vmem>> -> memref<56xi32, #tpu.memory_space<vmem>>
    %dma_wait3A_24 = arith.constant 0 : i32
    %dma_wait3A_25 = arith.constant 0 : i32
    %dma_wait3A_26 = tpu.memref_slice %arg3[%dma_wait3A_24, %dma_wait3A_25] : memref<30522x768xf32, #tpu.memory_space<hbm>> -> memref<30522x768xf32, #tpu.memory_space<hbm>>
    tpu.wait_indirect_dma semaphore(%arg8 : memref<!tpu.dma_semaphore, #tpu.memory_space<semaphore_mem>>) src(%dma_wait3A_26 : memref<30522x768xf32, #tpu.memory_space<hbm>>) dst(%arg6 : memref<56x768xf32, #tpu.memory_space<vmem>>)
    %add3A_27 = arith.constant 30 : i32
    %add3A_28 = arith.addi %mul3A_2, %add3A_27 : i32
    %mul3A_29 = arith.constant 56 : i32
    %mul3A_30 = arith.muli %add3A_28, %mul3A_29 : i32
    %dma_start3A_31 = arith.constant 0 : i32
    %dma_start3A_32 = tpu.memref_slice %arg4[%mul3A_30, %dma_start3A_31] : memref<57344x768xf32, #tpu.memory_space<hbm>> -> memref<56x768xf32, #tpu.memory_space<hbm>>
    %dma_start3A_33 = arith.constant 0 : i32
    %dma_start3A_34 = tpu.memref_slice %arg4[%mul3A_30, %dma_start3A_33] : memref<57344x768xf32, #tpu.memory_space<hbm>> -> memref<56x768xf32, #tpu.memory_space<hbm>>
    tpu.enqueue_dma source(%arg6 : memref<56x768xf32, #tpu.memory_space<vmem>>) target(%dma_start3A_34 : memref<56x768xf32, #tpu.memory_space<hbm>>) target_semaphore(%arg10 : memref<!tpu.dma_semaphore, #tpu.memory_space<semaphore_mem>>)
    %dma_wait3A_35 = arith.constant 0 : i32
    %dma_wait3A_36 = arith.constant 0 : i32
    %dma_wait3A_37 = tpu.memref_slice %arg4[%dma_wait3A_35, %dma_wait3A_36] : memref<57344x768xf32, #tpu.memory_space<hbm>> -> memref<56x768xf32, #tpu.memory_space<hbm>>
    %dma_wait3A_38 = arith.constant 0 : i32
    %dma_wait3A_39 = arith.constant 0 : i32
    %dma_wait3A_40 = tpu.memref_slice %arg4[%dma_wait3A_38, %dma_wait3A_39] : memref<57344x768xf32, #tpu.memory_space<hbm>> -> memref<56x768xf32, #tpu.memory_space<hbm>>
    tpu.wait_dma2 semaphore(%arg10 : memref<!tpu.dma_semaphore, #tpu.memory_space<semaphore_mem>>) src(%arg6 : memref<56x768xf32, #tpu.memory_space<vmem>>) dst(%dma_wait3A_40 : memref<56x768xf32, #tpu.memory_space<hbm>>)
    %dma_wait3A_41 = arith.constant 0 : i32
    %dma_wait3A_42 = arith.constant 0 : i32
    %dma_wait3A_43 = tpu.memref_slice %arg5[%dma_wait3A_41, %dma_wait3A_42] : memref<32x56xi32, #tpu.memory_space<vmem>> -> memref<1x56xi32, #tpu.memory_space<vmem>>
    %dma_wait3A_44 = tpu.memref_squeeze %dma_wait3A_43 : memref<1x56xi32, #tpu.memory_space<vmem>> -> memref<56xi32, #tpu.memory_space<vmem>>
    %dma_wait3A_45 = arith.constant 0 : i32
    %dma_wait3A_46 = arith.constant 0 : i32
    %dma_wait3A_47 = tpu.memref_slice %arg3[%dma_wait3A_45, %dma_wait3A_46] : memref<30522x768xf32, #tpu.memory_space<hbm>> -> memref<30522x768xf32, #tpu.memory_space<hbm>>
    tpu.wait_indirect_dma semaphore(%arg9 : memref<!tpu.dma_semaphore, #tpu.memory_space<semaphore_mem>>) src(%dma_wait3A_47 : memref<30522x768xf32, #tpu.memory_space<hbm>>) dst(%arg7 : memref<56x768xf32, #tpu.memory_space<vmem>>)
    %add3A_48 = arith.constant 31 : i32
    %add3A_49 = arith.addi %mul3A_2, %add3A_48 : i32
    %mul3A_50 = arith.constant 56 : i32
    %mul3A_51 = arith.muli %add3A_49, %mul3A_50 : i32
    %dma_start3A_52 = arith.constant 0 : i32
    %dma_start3A_53 = tpu.memref_slice %arg4[%mul3A_51, %dma_start3A_52] : memref<57344x768xf32, #tpu.memory_space<hbm>> -> memref<56x768xf32, #tpu.memory_space<hbm>>
    %dma_start3A_54 = arith.constant 0 : i32
    %dma_start3A_55 = tpu.memref_slice %arg4[%mul3A_51, %dma_start3A_54] : memref<57344x768xf32, #tpu.memory_space<hbm>> -> memref<56x768xf32, #tpu.memory_space<hbm>>
    tpu.enqueue_dma source(%arg7 : memref<56x768xf32, #tpu.memory_space<vmem>>) target(%dma_start3A_55 : memref<56x768xf32, #tpu.memory_space<hbm>>) target_semaphore(%arg11 : memref<!tpu.dma_semaphore, #tpu.memory_space<semaphore_mem>>)
    %dma_wait3A_56 = arith.constant 0 : i32
    %dma_wait3A_57 = arith.constant 0 : i32
    %dma_wait3A_58 = tpu.memref_slice %arg4[%dma_wait3A_56, %dma_wait3A_57] : memref<57344x768xf32, #tpu.memory_space<hbm>> -> memref<56x768xf32, #tpu.memory_space<hbm>>
    %dma_wait3A_59 = arith.constant 0 : i32
    %dma_wait3A_60 = arith.constant 0 : i32
    %dma_wait3A_61 = tpu.memref_slice %arg4[%dma_wait3A_59, %dma_wait3A_60] : memref<57344x768xf32, #tpu.memory_space<hbm>> -> memref<56x768xf32, #tpu.memory_space<hbm>>
    tpu.wait_dma2 semaphore(%arg11 : memref<!tpu.dma_semaphore, #tpu.memory_space<semaphore_mem>>) src(%arg7 : memref<56x768xf32, #tpu.memory_space<vmem>>) dst(%dma_wait3A_61 : memref<56x768xf32, #tpu.memory_space<hbm>>)
    return
  }
}

module attributes {stable_mosaic.version = 14 : i64} {
  func.func @_ln_body(%arg0: i32, %arg1: memref<32x56x768xf32, #tpu.memory_space<vmem>>, %arg2: memref<50x768xf32, #tpu.memory_space<vmem>>, %arg3: memref<1x768xf32, #tpu.memory_space<vmem>>, %arg4: memref<1x768xf32, #tpu.memory_space<vmem>>, %arg5: memref<32x50x768xf32, #tpu.memory_space<vmem>>) attributes {dimension_semantics = [#tpu.dimension_semantics<arbitrary>], iteration_bounds = array<i64: 32>, scalar_prefetch = 0 : i64, scratch_operands = 0 : i64, tpu.core_type = #tpu.core_type<tc>, window_params = [{transform_indices = @transform_0, window_bounds = array<i64: 32, 56, 768>}, {pipeline_mode = #tpu.pipeline_mode<synchronous>, transform_indices = @transform_1, window_bounds = array<i64: 50, 768>}, {pipeline_mode = #tpu.pipeline_mode<synchronous>, transform_indices = @transform_2, window_bounds = array<i64: 1, 768>}, {pipeline_mode = #tpu.pipeline_mode<synchronous>, transform_indices = @transform_3, window_bounds = array<i64: 1, 768>}, {transform_indices = @transform_4, window_bounds = array<i64: 32, 50, 768>}]} {
    %get3A = arith.constant 0 : index
    %get3A_0 = arith.constant 0 : index
    %get3A_1 = arith.constant 0 : index
    %get3A_2 = vector.load %arg1[%get3A, %get3A_0, %get3A_1] : memref<32x56x768xf32, #tpu.memory_space<vmem>>, vector<32x50x768xf32>
    %get3A_3 = arith.constant 0 : index
    %get3A_4 = arith.constant 0 : index
    %get3A_5 = vector.load %arg2[%get3A_3, %get3A_4] : memref<50x768xf32, #tpu.memory_space<vmem>>, vector<50x768xf32>
    %broadcast_in_dim3A = vector.shape_cast %get3A_5 : vector<50x768xf32> to vector<1x50x768xf32>
    %add3A = vector.broadcast %broadcast_in_dim3A : vector<1x50x768xf32> to vector<32x50x768xf32>
    %add3A_6 = arith.addf %get3A_2, %add3A : vector<32x50x768xf32>
    %reduce_sum3A = arith.constant dense<0.000000e+00> : vector<32x50xf32>
    %reduce_sum3A_7 = vector.multi_reduction <add>, %add3A_6, %reduce_sum3A [2] : vector<32x50x768xf32> to vector<32x50xf32>
    %broadcast_in_dim3A_8 = vector.shape_cast %reduce_sum3A_7 : vector<32x50xf32> to vector<32x50x1xf32>
    %div3A = arith.constant 7.680000e+02 : f32
    %div3A_9 = vector.broadcast %div3A : f32 to vector<32x50x1xf32>
    %div3A_10 = arith.divf %broadcast_in_dim3A_8, %div3A_9 : vector<32x50x1xf32>
    %sub3A = vector.broadcast %div3A_10 : vector<32x50x1xf32> to vector<32x50x768xf32>
    %sub3A_11 = arith.subf %add3A_6, %sub3A : vector<32x50x768xf32>
    %mul3A = arith.mulf %sub3A_11, %sub3A_11 : vector<32x50x768xf32>
    %reduce_sum3A_12 = arith.constant dense<0.000000e+00> : vector<32x50xf32>
    %reduce_sum3A_13 = vector.multi_reduction <add>, %mul3A, %reduce_sum3A_12 [2] : vector<32x50x768xf32> to vector<32x50xf32>
    %broadcast_in_dim3A_14 = vector.shape_cast %reduce_sum3A_13 : vector<32x50xf32> to vector<32x50x1xf32>
    %div3A_15 = arith.constant 7.680000e+02 : f32
    %div3A_16 = vector.broadcast %div3A_15 : f32 to vector<32x50x1xf32>
    %div3A_17 = arith.divf %broadcast_in_dim3A_14, %div3A_16 : vector<32x50x1xf32>
    %add3A_18 = arith.constant 9.99999996E-13 : f32
    %add3A_19 = vector.broadcast %add3A_18 : f32 to vector<32x50x1xf32>
    %add3A_20 = arith.addf %div3A_17, %add3A_19 : vector<32x50x1xf32>
    %rsqrt3A = math.rsqrt %add3A_20 : vector<32x50x1xf32>
    %mul3A_21 = vector.broadcast %rsqrt3A : vector<32x50x1xf32> to vector<32x50x768xf32>
    %mul3A_22 = arith.mulf %sub3A_11, %mul3A_21 : vector<32x50x768xf32>
    %get3A_23 = arith.constant 0 : index
    %get3A_24 = arith.constant 0 : index
    %get3A_25 = vector.load %arg3[%get3A_23, %get3A_24] : memref<1x768xf32, #tpu.memory_space<vmem>>, vector<1x768xf32>
    %broadcast_in_dim3A_26 = vector.shape_cast %get3A_25 : vector<1x768xf32> to vector<1x1x768xf32>
    %mul3A_27 = vector.broadcast %broadcast_in_dim3A_26 : vector<1x1x768xf32> to vector<32x50x768xf32>
    %mul3A_28 = arith.mulf %mul3A_22, %mul3A_27 : vector<32x50x768xf32>
    %get3A_29 = arith.constant 0 : index
    %get3A_30 = arith.constant 0 : index
    %get3A_31 = vector.load %arg4[%get3A_29, %get3A_30] : memref<1x768xf32, #tpu.memory_space<vmem>>, vector<1x768xf32>
    %broadcast_in_dim3A_32 = vector.shape_cast %get3A_31 : vector<1x768xf32> to vector<1x1x768xf32>
    %add3A_33 = vector.broadcast %broadcast_in_dim3A_32 : vector<1x1x768xf32> to vector<32x50x768xf32>
    %add3A_34 = arith.addf %mul3A_28, %add3A_33 : vector<32x50x768xf32>
    %swap3A = arith.constant 0 : index
    %swap3A_35 = arith.constant 0 : index
    %swap3A_36 = arith.constant 0 : index
    %swap3A_37 = vector.load %arg5[%swap3A, %swap3A_35, %swap3A_36] : memref<32x50x768xf32, #tpu.memory_space<vmem>>, vector<32x50x768xf32>
    tpu.vector_store %arg5[%swap3A, %swap3A_35, %swap3A_36], %add3A_34 {strides = array<i32>} : memref<32x50x768xf32, #tpu.memory_space<vmem>>, vector<32x50x768xf32>,
    return
  }
  func.func @transform_0(%arg0: i32) -> (i32, i32, i32) {
    %c0_i32 = arith.constant 0 : i32
    %c0_i32_0 = arith.constant 0 : i32
    %c0_i32_1 = arith.constant 0 : i32
    return %arg0, %c0_i32, %c0_i32_0 : i32, i32, i32
  }
  func.func @transform_1(%arg0: i32) -> (i32, i32) {
    %c0_i32 = arith.constant 0 : i32
    %c0_i32_0 = arith.constant 0 : i32
    %c0_i32_1 = arith.constant 0 : i32
    return %c0_i32, %c0_i32_0 : i32, i32
  }
  func.func @transform_2(%arg0: i32) -> (i32, i32) {
    %c0_i32 = arith.constant 0 : i32
    %c0_i32_0 = arith.constant 0 : i32
    %c0_i32_1 = arith.constant 0 : i32
    return %c0_i32, %c0_i32_0 : i32, i32
  }
  func.func @transform_3(%arg0: i32) -> (i32, i32) {
    %c0_i32 = arith.constant 0 : i32
    %c0_i32_0 = arith.constant 0 : i32
    %c0_i32_1 = arith.constant 0 : i32
    return %c0_i32, %c0_i32_0 : i32, i32
  }
  func.func @transform_4(%arg0: i32) -> (i32, i32, i32) {
    %c0_i32 = arith.constant 0 : i32
    %c0_i32_0 = arith.constant 0 : i32
    %c0_i32_1 = arith.constant 0 : i32
    return %arg0, %c0_i32, %c0_i32_0 : i32, i32, i32
  }
}

</mosaic_0001>

<sc_bundles>
// kernel: kernel.4.cloned.1.call-start
scs
__scs_entry_jumppad:
0x0: {  	(pc) =	sbr.rel $0x88, $3  }
0x1: {  	(tag) =	ssettag $0x0;
	lr =	simm.s32 $0x1  }
0x2: {  	[smem:$0x3F9B] =	sst lr;
	_ =	strace $0xD0000000  }
0x3: {  	_ = 	snop  }
0x4: {  	_ = 	snop  }
0x5: {  	_ = 	snop  }
0x6: {  	_ = 	snop  }
0x7: {  	_ = 	snop  }
__scs_overlays_trampoline_lowered:
0x8: {  	[smem:$0x3FAA] =	sst s0  }
0x9: {  	[smem:$0x3FAB] =	sst s1  }
0xa: {  	[smem:$0x3FAC] =	sst s2  }
0xb: {  	[smem:$0x3FAD] =	sst s3  }
0xc: {  	[smem:$0x3FAE] =	sst s4  }
0xd: {  	[smem:$0x3FAF] =	sst s5  }
0xe: {  	[smem:$0x3FB0] =	sst s6  }
0xf: {  	[smem:$0x3FB1] =	sst s7  }
0x10: {  	[smem:$0x3FB2] =	sst s8  }
0x11: {  	[smem:$0x3FB3] =	sst s9;
	s0 =	simm.s32 @!p0 $0x0  }
0x12: {  	s1 =	sld [smem:$0x3F99];
	s0 =	simm.s32 @p0 $0x1  }
0x13: {  	[smem:$0x3FB4] =	sst s0;
	s0 =	simm.s32 @!p1 $0x0  }
0x14: {  	s2 =	sld [smem:$0x3F98];
	s0 =	simm.s32 @p1 $0x1  }
0x15: {  	[smem:$0x3FB5] =	sst s0;
	s0 =	simm.s32 @!p2 $0x0  }
0x16: {  	s3 =	sld [smem:$0x3FDB];
	s0 =	simm.s32 @p2 $0x1  }
0x17: {  	s4 =	simm.s32 $0x1BF5;
	[smem:$0x3FB7] =	sst s0  }
0x18: {  	s0 =	sld [smem:$0x3F9A];
	_ =	swait.ge [sflag:s4], $0x0  }
0x19: {  	s7 =	sld [smem:$0x3F9B]  }
0x1a: {  	s8 =	sadd.s32 $0xFFFFE003, lr  }
0x1b: {  	s9 =	sadd.s32 $0xFFFFFEF7, lr;
	s5 =	simm.s32 $0xFFFFFFFF;
	p2 =	slt.u32 s8, $0xFFFFF086  }
0x1c: {  	p1 =	slt.u32 s9, $0xF7A;
	s5 =	simm.s32 @!p2 $0x0  }
0x1d: {  	s5 =	simm.s32 @p1 $0x1;
	p0 =	seq.s32 s7, s2  }
0x1e: {  	s7 =	smul.u32 @!p0 $0xF7A, s2;
	p2 =	seq.s32 @!p0 s5, $0x0  }
0x1f: {  	s9 =	smul.u32 $0xF7A, s1;
	s8 =	simm.s32 @!p0 $0x1BF5;
	p2 =	por !p2, p0  }
0x20: {  	[sflag:s8] =	ssyncset.s32 @!p0 $0xFFFFF086;
	s6 =	sadd.s32 @!p0 s3, s7;
	s7 =	simm.s32 @!p0 $0x108  }
0x21: {  	s3 =	sadd.s32 s3, s9;
	s6 =	sadd.s32 @!p0 $0x88, s6;
	s7 =	simm.s32 @p2 $0x1082  }
0x22: {  	[simem:s7], [sflag:s8] =	dma.local @!p0 [hbm:s6], $0xF7A  }
0x23: {  	s9 =	sor.u32 $0xD0000000, s2;
	s6 =	simm.s32 $0x108;
	_ =	swait.ge @!p0 [sflag:s8], $0x0  }
0x24: {  	s3 =	sadd.s32 $0x88, s3;
	s6 =	simm.s32 @!p1 $0x1082;
	[sflag:s4] =	ssyncset.s32 $0xFFFFF086  }
0x25: {  	[simem:s6], [sflag:s4] =	dma.local [hbm:s3], $0xF7A  }
0x26: {  	[smem:$0x3F9B] =	sst s1;
	(tag) =	ssettag s2;
	_ =	strace s9  }
0x27: {  	s1 =	sld [smem:$0x3FAB]  }
0x28: {  	s2 =	sld [smem:$0x3FAC]  }
0x29: {  	s4 =	sld [smem:$0x3FAE]  }
0x2a: {  	p0 =	seq.s32 s5, $0x0;
	s5 =	sld [smem:$0x3FAF]  }
0x2b: {  	s6 =	sld [smem:$0x3FB0]  }
0x2c: {  	s7 =	sld [smem:$0x3FB1]  }
0x2d: {  	s3 =	simm.s32 $0x108;
	s8 =	sld [smem:$0x3FB2]  }
0x2e: {  	s3 =	simm.s32 @!p0 $0x1082;
	s9 =	sld [smem:$0x3FB3]  }
0x2f: {  	lr =	sadd.s32 s0, s3;
	s0 =	sld [smem:$0x3FAA]  }
0x30: {  	s3 =	sld [smem:$0x3FAD]  }
0x31: {  	[smem:$0x3FB6] =	sst s10  }
0x32: {  	s10 =	sld [smem:$0x3FB4];
	_ =	sdelay $0x3  }
0x33: {  	p0 =	seq.s32 s10, $0x1;
	s10 =	sld [smem:$0x3FB6];
	_ =	sdelay $0x3  }
0x34: {  	[smem:$0x3FB6] =	sst s10  }
0x35: {  	s10 =	sld [smem:$0x3FB5];
	_ =	sdelay $0x3  }
0x36: {  	p1 =	seq.s32 s10, $0x1;
	s10 =	sld [smem:$0x3FB6];
	_ =	sdelay $0x3  }
0x37: {  	[smem:$0x3FB6] =	sst s10  }
0x38: {  	s10 =	sld [smem:$0x3FB7]  }
0x39: {  	_ = 	snop;
	(pc) =	sbr.ind lr, $3  }
0x3a: {  	_ = 	snop  }
0x3b: {  	_ = 	snop  }
0x3c: {  	p2 =	seq.s32 s10, $0x1;
	s10 =	sld [smem:$0x3FB6]  }
0x3d: {  	_ =	shalt  }
0x3e: {  	_ =	shalt  }
0x3f: {  	_ =	shalt  }
0x40: {  	_ =	shalt  }
0x41: {  	_ =	shalt  }
0x42: {  	_ =	shalt  }
0x43: {  	_ =	shalt  }
0x44: {  	_ =	shalt  }
0x45: {  	_ =	shalt  }
0x46: {  	_ =	shalt  }
0x47: {  	_ =	shalt  }
0x48: {  	_ =	shalt  }
0x49: {  	_ =	shalt  }
0x4a: {  	_ =	shalt  }
0x4b: {  	_ =	shalt  }
0x4c: {  	_ =	shalt  }
0x4d: {  	_ =	shalt  }
0x4e: {  	_ =	shalt  }
0x4f: {  	_ =	shalt  }
0x50: {  	_ =	shalt  }
0x51: {  	_ =	shalt  }
0x52: {  	_ =	shalt  }
0x53: {  	_ =	shalt  }
0x54: {  	_ =	shalt  }
0x55: {  	_ =	shalt  }
0x56: {  	_ =	shalt  }
0x57: {  	_ =	shalt  }
0x58: {  	_ =	shalt  }
0x59: {  	_ =	shalt  }
0x5a: {  	_ =	shalt  }
0x5b: {  	_ =	shalt  }
0x5c: {  	_ =	shalt  }
0x5d: {  	_ =	shalt  }
0x5e: {  	_ =	shalt  }
0x5f: {  	_ =	shalt  }
0x60: {  	_ =	shalt  }
0x61: {  	_ =	shalt  }
0x62: {  	_ =	shalt  }
0x63: {  	_ =	shalt  }
0x64: {  	_ =	shalt  }
0x65: {  	_ =	shalt  }
0x66: {  	_ =	shalt  }
0x67: {  	_ =	shalt  }
0x68: {  	_ =	shalt  }
0x69: {  	_ =	shalt  }
0x6a: {  	_ =	shalt  }
0x6b: {  	_ =	shalt  }
0x6c: {  	_ =	shalt  }
0x6d: {  	_ =	shalt  }
0x6e: {  	_ =	shalt  }
0x6f: {  	_ =	shalt  }
0x70: {  	_ =	shalt  }
0x71: {  	_ =	shalt  }
0x72: {  	_ =	shalt  }
0x73: {  	_ =	shalt  }
0x74: {  	_ =	shalt  }
0x75: {  	_ =	shalt  }
0x76: {  	_ =	shalt  }
0x77: {  	_ =	shalt  }
0x78: {  	_ =	shalt  }
0x79: {  	_ =	shalt  }
0x7a: {  	_ =	shalt  }
0x7b: {  	_ =	shalt  }
0x7c: {  	_ =	shalt  }
0x7d: {  	_ =	shalt  }
0x7e: {  	_ =	shalt  }
0x7f: {  	_ =	shalt  }
0x80: {  	_ =	shalt  }
0x81: {  	_ =	shalt  }
0x82: {  	_ =	shalt  }
0x83: {  	_ =	shalt  }
0x84: {  	_ =	shalt  }
0x85: {  	_ =	shalt  }
0x86: {  	_ =	shalt  }
0x87: {  	_ =	shalt  }
.Lfunc_end0:
.L_simem_size_0:
called_computation_lowered:
.L_overlay_start_0:
0x88: {  	s2 =	sld [smem:$0x3FD9]  }
0x89: {  	s3 =	sld [smem:$0x3FFE];
	_ =	sdelay $0x1  }
0x8a: {  	s1 =	srdreg.scid  }
0x8b: {  	s0 =	sand.u32 $0x1, s1  }
0x8c: {  	s17 =	sshll.u32 s0, $0xA;
	s2 =	sadd.s32 s3, s2  }
0x8d: {  	s2 =	sadd.s32 s2, s17  }
0x8e: {  	[smem:$0x3FC2] =	sst s2  }
0x8f: {  	_ = 	snop  }
0x90: {  	s2 =	sld [smem:$0x3FC8]  }
0x91: {  	s18 =	sld [smem:$0x3FD0];
	(tm) =	ssettm $0x1  }
0x92: {  	s4 =	sld [smem:$0x3FFB];
	_ =	sdelay $0x3  }
0x93: {  	_ =	strace s4  }
0x94: {  	s4 =	sld [smem:$0x3FFC];
	_ =	sdelay $0x3  }
0x95: {  	_ =	strace s4  }
0x96: {  	s4 =	sld [smem:$0x3FFD];
	_ =	sdelay $0x3  }
0x97: {  	_ =	strace s4  }
0x98: {  	_ =	strace $0x8FFFFFFF  }
0x99: {  	s19 =	sld [smem:$0x3FDB];
	_ =	sdelay $0x1  }
0x9a: {  	s5 =	simm.s32 $_scs_section_size  }
0x9b: {  	s6 =	simm.s32 $_size__tile_overlayer_lowered;
	s7 =	simm.s32 $_tile_overlayer_lowered  }
0x9c: {  	s22 =	simm.s32 $0x1BFF;
	s21 =	sshll.u32 s7, $0x1;
	s4 =	sadd.s32 s5, s19  }
0x9d: {  	s8 =	simm.s32 $0x0;
	s20 =	sshll.u32 s6, $0x1;
	s6 =	sadd.s32 s21, s4  }
0x9e: {  	[timem:s8], [sflag:s22] =	dma.local [hbm:s6], s20  }
0x9f: {  	_ =	swait.ge [sflag:s22], s20  }
0xa0: {  	s5 =	ssub.s32 $0x0, s20;
	[sflag:s22] =	ssyncset.done $0x0  }
0xa1: {  	[sflag:s22] =	ssyncadd.s32 s5;
	_ =	sdelay $0x1  }
0xa2: {  	s23 =	simm.s32 $0x1B8B  }
0xa3: {  	_ =	swait.ge [sflag:s23], $0x1  }
0xa4: {  	[sflag:s23] =	ssyncset.done $0x0  }
0xa5: {  	s25 =	simm.s32 $0x1B8E;
	s24 =	sld [smem:$0x3FFE];
	[sflag:s23] =	ssyncadd.s32 $0xFFFFFFFF  }
0xa6: {  	s26 =	simm.s32 $execute0_lowered;
	[smem:$0x3FD2] =	sst s25  }
0xa7: {  	s6 =	sshll.u32 s26, $0x1;
	_ =	strace $0x80000046;
	[dreg:$0x1] =	wrdreg $0xFFFFFFFF  }
0xa8: {  	s28 =	simm.s32 $_size_execute0_lowered;
	s4 =	sadd.s32 s4, s6;
	[dreg:$0x0] =	wrdreg $0x0  }
0xa9: {  	s6 =	sshll.u32 s28, $0x1;
	[dreg:$0x2] =	wrdreg s4  }
0xaa: {  	[dreg:$0x3] =	wrdreg s6  }
0xab: {  	[dreg:$0x4] =	wrdreg $0xC0  }
0xac: {  	_ =	task [dreg:s8], $0x5FFFF  }
0xad: {  	[dreg:$0x1] =	wrdreg $0xFFFFFFFF  }
0xae: {  	[dreg:$0x0] =	wrdreg $0x60  }
0xaf: {  	[dreg:$0x2] =	wrdreg s18  }
0xb0: {  	[dreg:$0x3] =	wrdreg s2  }
0xb1: {  	[dreg:$0x4] =	wrdreg s24  }
0xb2: {  	[dreg:$0x5] =	wrdreg $0x9  }
0xb3: {  	_ =	task.clear_ibuf [dreg:s8], $0x6FFFF;
	_ =	strace $0x90000046  }
0xb4: {  	s29 =	simm.s32 $0x9;
	_ =	strace $0x80000048  }
0xb5: {  	_ =	swait.ge [sflag:s29], $0x1  }
0xb6: {  	[sflag:s29] =	ssyncadd.s32 $0xFFFFFFFF  }
0xb7: {  	_ =	strace $0x90000048  }
0xb8: {  	_ =	sfence  }
0xb9: {  	s30 =	sld [smem:$0x0];
	_ =	sdelay $0x2  }
0xba: {  	s31 =	sshll.u32 s1, $0xD;
	s1 =	sshrl.u32 s1, $0x2  }
0xbb: {  	s3 =	sand.u32 $0x4000, s31;
	s1 =	sadd.s32 s1, s30  }
0xbc: {  	s0 =	sor.u32 s3, s0;
	s1 =	sshll.u32 s1, $0x11  }
0xbd: {  	s0 =	sor.u32 s1, s0  }
0xbe: {  	s0 =	sadd.s32 $0x8F2B, s0  }
0xbf: {  	[sflag:s0] =	ssyncadd.remote.s32 $0x1  }
0xc0: {  	_ =	sfence.sel $0xFFFF  }
0xc1: {  	[dreg:$0x0] =	wrdreg $0xFFFFFFFF;
	(pc) =	sbr.abs _section_cstart, $3  }
0xc2: {  	[dreg:$0x1] =	wrdreg $0xFFFFFFFF  }
0xc3: {  	_ =	task.clear_ibuf [dreg:s8], $0x2FFFF;
	_ =	strace $0x9FFFFFFF  }
0xc4: {  	(tm) =	ssettm $0x7FFFFFFF  }
0xc5: {  	_ =	shalt  }
tec
execute0_lowered:
.L_overlay_start_1:
0x0: {  	(tag) =	ssettag $0x1  }
0x1: {  	s0 =	rddreg [dreg:$0x0]  }
0x2: {  	s2 =	rddreg [dreg:$0x1];
	s1 =	srdreg.scid  }
0x3: {  	s10 =	stileid.u32;
	s4 =	rddreg [dreg:$0x2];
	s3 =	simm.s32 $0x0  }
0x4: {  	s12 =	simm.s32 $0x4000;
	s13 =	simm.s32 $0x4800;
	s14 =	simm.s32 $0x5000  }
0x5: {  	s15 =	simm.s32 $0x5800;
	s16 =	simm.s32 $0x6000;
	s17 =	simm.s32 $0x6800  }
0x6: {  	s18 =	simm.s32 $0x7000;
	s19 =	simm.s32 $0x7800;
	s20 =	simm.s32 $0x8000  }
0x7: {  	s21 =	simm.s32 $0x8800;
	s11 =	simm.s32 $0xA800;
	s28 =	simm.s32 $0x1  }
0x8: {  	s29 =	simm.s32 $0x3;
	s30 =	simm.s32 $0x2;
	s31 =	simm.s32 $0x4  }
0x9: {  	s1 =	sand.u32 $0x1, s1;
	s5 =	sshll.u32 s10, $0x1;
	[smem:$0x7FF] =	sst s3  }
0xa: {  	s4 =	sadd.s32 $0x600, s4;
	s24 =	smul.u32 $0x54000, s10;
	s10 =	simm.s32 $0x3800  }
0xb: {  	s5 =	sor.u32 s1, s5;
	s7 =	ssub.s32 $0x2, s1;
	s1 =	smul.u32 $0x2A000, s1  }
0xc: {  	_ =	strace $0x80000047;
	s6 =	smul.u32 $0x700, s5;
	s8 =	sshrl.u32 s7, $0x1  }
0xd: {  	s5 =	sshll.u32 s5, $0x9;
	s25 =	sadd.s32 s24, s4;
	s24 =	simm.s32 $0xA000  }
0xe: {  	s7 =	ssub.s32 s7, s8;
	s0 =	sadd.s32 s0, s5;
	s5 =	sadd.s32 $0x100, s2  }
0xf: {  	s1 =	sadd.s32 s1, s25;
	s25 =	simm.s32 $0x2000;
	s9 =	sshrl.u32 s6, $0x3  }
0x10: {  	[dreg:$0x5] =	wrdreg s0;
	s23 =	sadd.s32 $0x6C8, s6;
	s6 =	sadd.s32 $0x200, s2  }
0x11: {  	s26 =	smax.u32 s7, $0x1;
	[dreg:$0x4] =	wrdreg s1;
	s7 =	simm.s32 $0xB800  }
0x12: {  	s1 =	simm.s32 $0x0;
	s22 =	smul.u32 $0x300, s9;
	s0 =	sshrl.u32 s23, $0x3  }
0x13: {  	[dreg:$0x8] =	wrdreg s26;
	s9 =	simm.s32 $0x3000;
	s23 =	simm.s32 $0x9800  }
0x14: {  	s26 =	simm.s32 $0xB000;
	s0 =	smul.u32 $0x300, s0;
	s8 =	sadd.s32 s4, s22  }
0x15: {  	v2 =	vlaneseq.u32;
	[dreg:$0x9] =	wrdreg s1;
	s22 =	simm.s32 $0x9000;
	s8 =	sadd.s32 $0x27600, s8  }
0x16: {  	vm0 =	vmmov $0xffff;
	v1 =	vshrl.u32 v2, $0x3;
	s0 =	sadd.s32 s4, s0;
	s4 =	simm.s32 $0x1800;
	[dreg:$0x6] =	wrdreg s8  }
0x17: {  	v0 =	vand.u32 $0x7, v2;
	v2 =	vor.u32 $0x8, v2;
	v1 =	vmul.u32 $0x8, v1;
	[dreg:$0x7] =	wrdreg s0;
	s0 =	simm.s32 $0x1000;
	s8 =	simm.s32 $0x2800  }
.LBB2_1:
0x18: {  	s1 =	rddreg [dreg:$0x5]  }
0x19: {  	[tilespmem:s3], [sflag:$0x5] =	stream.linear.gather [hbm4b:s1+s3], $0x1000, $0x38;
	[tilespmem:$0x16000] =	vst v63  }
0x1a: {  	s1 =	simm.s32 $0x5  }
0x1b: {  	_ =	swait.ge [sflag:s1], $0x1000  }
0x1c: {  	[sflag:s1] =	ssyncset.done $0x0  }
0x1d: {  	[sflag:s1] =	ssyncadd.s32 $0xFFFFF000  }
0x1e: {  	v3 =	vld [tilespmem:$0x0];
	_ =	sdelay $0x4  }
0x1f: {  	v4 =	vshrl.u32 v3, $0x3  }
0x20: {  	v4 =	vmul.u32 $0x30, v4  }
0x21: {  	v3 =	vand.u32 $0x7, v3  }
0x22: {  	v3 =	vor.u32 v3, v4  }
0x23: {  	v4 =	vperm.xlane v3, v0;
	_ =	sdelay $0x1  }
0x24: {  	v4 =	vadd.s32 v1, v4;
	_ =	sdelay $0x3  }
0x25: {  	v3 =	vperm.xlane v3, v2  }
0x26: {  	[tilespmem:s0], [sflag:$0x1] =	stream.indirect_vreg.gather [hbm4b:s2+s3], $0x80, v4, vm0, $0xb8;
	[tilespmem:$0x16000] =	vst v63  }
0x27: {  	v3 =	vadd.s32 v1, v3  }
0x28: {  	[tilespmem:s4], [sflag:$0x1] =	stream.indirect_vreg.gather [hbm4b:s5+s3], $0x80, v4, vm0, $0xb8;
	[tilespmem:$0x16000] =	vst v63  }
0x29: {  	_ = 	snop  }
0x2a: {  	[tilespmem:s25], [sflag:$0x1] =	stream.indirect_vreg.gather [hbm4b:s6+s3], $0x80, v4, vm0, $0xb8;
	[tilespmem:$0x16000] =	vst v63  }
0x2b: {  	_ = 	snop  }
0x2c: {  	[tilespmem:s8], [sflag:$0x1] =	stream.indirect_vreg.gather [hbm4b:s2+s3], $0x80, v3, vm0, $0xb8;
	[tilespmem:$0x16000] =	vst v63  }
0x2d: {  	_ = 	snop  }
0x2e: {  	[tilespmem:s9], [sflag:$0x1] =	stream.indirect_vreg.gather [hbm4b:s5+s3], $0x80, v3, vm0, $0xb8;
	[tilespmem:$0x16000] =	vst v63  }
0x2f: {  	_ = 	snop  }
0x30: {  	[tilespmem:s10], [sflag:$0x1] =	stream.indirect_vreg.gather [hbm4b:s6+s3], $0x80, v3, vm0, $0xb8;
	[tilespmem:$0x16000] =	vst v63  }
0x31: {  	v3 =	vld [tilespmem:$0x10];
	_ =	sdelay $0x4  }
0x32: {  	v57 =	vshrl.u32 v3, $0x3  }
0x33: {  	v4 =	vmul.u32 $0x30, v57  }
0x34: {  	v3 =	vand.u32 $0x7, v3  }
0x35: {  	v3 =	vor.u32 v3, v4  }
0x36: {  	v4 =	vperm.xlane v3, v0;
	_ =	sdelay $0x1  }
0x37: {  	v4 =	vadd.s32 v1, v4;
	_ =	sdelay $0x3  }
0x38: {  	v3 =	vperm.xlane v3, v2  }
0x39: {  	[tilespmem:s12], [sflag:$0x1] =	stream.indirect_vreg.gather [hbm4b:s2+s3], $0x80, v4, vm0, $0xb8;
	[tilespmem:$0x16000] =	vst v63  }
0x3a: {  	v3 =	vadd.s32 v1, v3  }
0x3b: {  	[tilespmem:s13], [sflag:$0x1] =	stream.indirect_vreg.gather [hbm4b:s5+s3], $0x80, v4, vm0, $0xb8;
	[tilespmem:$0x16000] =	vst v63  }
0x3c: {  	_ = 	snop  }
0x3d: {  	[tilespmem:s14], [sflag:$0x1] =	stream.indirect_vreg.gather [hbm4b:s6+s3], $0x80, v4, vm0, $0xb8;
	[tilespmem:$0x16000] =	vst v63  }
0x3e: {  	_ = 	snop  }
0x3f: {  	[tilespmem:s15], [sflag:$0x1] =	stream.indirect_vreg.gather [hbm4b:s2+s3], $0x80, v3, vm0, $0xb8;
	[tilespmem:$0x16000] =	vst v63  }
0x40: {  	_ = 	snop  }
0x41: {  	[tilespmem:s16], [sflag:$0x1] =	stream.indirect_vreg.gather [hbm4b:s5+s3], $0x80, v3, vm0, $0xb8;
	[tilespmem:$0x16000] =	vst v63  }
0x42: {  	_ = 	snop  }
0x43: {  	[tilespmem:s17], [sflag:$0x1] =	stream.indirect_vreg.gather [hbm4b:s6+s3], $0x80, v3, vm0, $0xb8;
	[tilespmem:$0x16000] =	vst v63  }
0x44: {  	v3 =	vld [tilespmem:$0x20];
	_ =	sdelay $0x4  }
0x45: {  	v58 =	vshrl.u32 v3, $0x3  }
0x46: {  	v4 =	vmul.u32 $0x30, v58  }
0x47: {  	v3 =	vand.u32 $0x7, v3  }
0x48: {  	v3 =	vor.u32 v3, v4  }
0x49: {  	v4 =	vperm.xlane v3, v0;
	_ =	sdelay $0x1  }
0x4a: {  	v4 =	vadd.s32 v1, v4;
	_ =	sdelay $0x3  }
0x4b: {  	v3 =	vperm.xlane v3, v2  }
0x4c: {  	[tilespmem:s18], [sflag:$0x1] =	stream.indirect_vreg.gather [hbm4b:s2+s3], $0x80, v4, vm0, $0xb8;
	[tilespmem:$0x16000] =	vst v63  }
0x4d: {  	v3 =	vadd.s32 v1, v3  }
0x4e: {  	[tilespmem:s19], [sflag:$0x1] =	stream.indirect_vreg.gather [hbm4b:s5+s3], $0x80, v4, vm0, $0xb8;
	[tilespmem:$0x16000] =	vst v63  }
0x4f: {  	_ = 	snop  }
0x50: {  	[tilespmem:s20], [sflag:$0x1] =	stream.indirect_vreg.gather [hbm4b:s6+s3], $0x80, v4, vm0, $0xb8;
	[tilespmem:$0x16000] =	vst v63  }
0x51: {  	_ = 	snop  }
0x52: {  	[tilespmem:s21], [sflag:$0x1] =	stream.indirect_vreg.gather [hbm4b:s2+s3], $0x80, v3, vm0, $0xb8;
	[tilespmem:$0x16000] =	vst v63  }
0x53: {  	_ = 	snop  }
0x54: {  	[tilespmem:s22], [sflag:$0x1] =	stream.indirect_vreg.gather [hbm4b:s5+s3], $0x80, v3, vm0, $0xb8;
	[tilespmem:$0x16000] =	vst v63  }
0x55: {  	_ = 	snop  }
0x56: {  	[tilespmem:s23], [sflag:$0x1] =	stream.indirect_vreg.gather [hbm4b:s6+s3], $0x80, v3, vm0, $0xb8;
	[tilespmem:$0x16000] =	vst v63  }
0x57: {  	v3 =	vld.msk [tilespmem:$0x30], $0xff;
	_ =	sdelay $0x4  }
0x58: {  	v59 =	vshrl.u32 v3, $0x3  }
0x59: {  	v4 =	vmul.u32 $0x30, v59  }
0x5a: {  	v3 =	vand.u32 $0x7, v3  }
0x5b: {  	v3 =	vor.u32 v3, v4  }
0x5c: {  	v3 =	vperm.xlane v3, v0;
	_ =	sdelay $0x1  }
0x5d: {  	v3 =	vadd.s32 v1, v3;
	_ =	sdelay $0x4  }
0x5e: {  	[tilespmem:s24], [sflag:$0x1] =	stream.indirect_vreg.gather [hbm4b:s2+s3], $0x80, v3, vm0, $0xb8;
	[tilespmem:$0x16000] =	vst v63  }
0x5f: {  	_ = 	snop  }
0x60: {  	[tilespmem:s11], [sflag:$0x1] =	stream.indirect_vreg.gather [hbm4b:s5+s3], $0x80, v3, vm0, $0xb8;
	[tilespmem:$0x16000] =	vst v63  }
0x61: {  	_ = 	snop  }
0x62: {  	[tilespmem:s26], [sflag:$0x1] =	stream.indirect_vreg.gather [hbm4b:s6+s3], $0x80, v3, vm0, $0xb8;
	[tilespmem:$0x16000] =	vst v63  }
0x63: {  	v3 =	vld [tilespmem:$0x80];
	_ =	sdelay $0x4  }
0x64: {  	v60 =	vshrl.u32 v3, $0x3  }
0x65: {  	v4 =	vmul.u32 $0x30, v60  }
0x66: {  	v3 =	vand.u32 $0x7, v3  }
0x67: {  	v3 =	vor.u32 v3, v4  }
0x68: {  	v4 =	vperm.xlane v3, v0;
	_ =	sdelay $0x1  }
0x69: {  	v4 =	vadd.s32 v1, v4;
	_ =	sdelay $0x3  }
0x6a: {  	v3 =	vperm.xlane v3, v2  }
0x6b: {  	[tilespmem:s7], [sflag:$0x2] =	stream.indirect_vreg.gather [hbm4b:s2+s3], $0x80, v4, vm0, $0xb8;
	[tilespmem:$0x16000] =	vst v63  }
0x6c: {  	s10 =	simm.s32 $0xC000;
	v3 =	vadd.s32 v1, v3  }
0x6d: {  	[tilespmem:s10], [sflag:$0x2] =	stream.indirect_vreg.gather [hbm4b:s5+s3], $0x80, v4, vm0, $0xb8;
	[tilespmem:$0x16000] =	vst v63  }
0x6e: {  	s11 =	simm.s32 $0xC800  }
0x6f: {  	[tilespmem:s11], [sflag:$0x2] =	stream.indirect_vreg.gather [hbm4b:s6+s3], $0x80, v4, vm0, $0xb8;
	[tilespmem:$0x16000] =	vst v63  }
0x70: {  	s12 =	simm.s32 $0xD000  }
0x71: {  	[tilespmem:s12], [sflag:$0x2] =	stream.indirect_vreg.gather [hbm4b:s2+s3], $0x80, v3, vm0, $0xb8;
	[tilespmem:$0x16000] =	vst v63  }
0x72: {  	s13 =	simm.s32 $0xD800  }
0x73: {  	[tilespmem:s13], [sflag:$0x2] =	stream.indirect_vreg.gather [hbm4b:s5+s3], $0x80, v3, vm0, $0xb8;
	[tilespmem:$0x16000] =	vst v63  }
0x74: {  	s14 =	simm.s32 $0xE000  }
0x75: {  	[tilespmem:s14], [sflag:$0x2] =	stream.indirect_vreg.gather [hbm4b:s6+s3], $0x80, v3, vm0, $0xb8;
	[tilespmem:$0x16000] =	vst v63  }
0x76: {  	v3 =	vld [tilespmem:$0x90];
	_ =	sdelay $0x4  }
0x77: {  	v61 =	vshrl.u32 v3, $0x3  }
0x78: {  	v4 =	vmul.u32 $0x30, v61  }
0x79: {  	v3 =	vand.u32 $0x7, v3  }
0x7a: {  	v3 =	vor.u32 v3, v4  }
0x7b: {  	v4 =	vperm.xlane v3, v0;
	_ =	sdelay $0x1  }
0x7c: {  	v4 =	vadd.s32 v1, v4;
	_ =	sdelay $0x3  }
0x7d: {  	s15 =	simm.s32 $0xE800;
	v3 =	vperm.xlane v3, v2  }
0x7e: {  	[tilespmem:s15], [sflag:$0x2] =	stream.indirect_vreg.gather [hbm4b:s2+s3], $0x80, v4, vm0, $0xb8;
	[tilespmem:$0x16000] =	vst v63  }
0x7f: {  	s16 =	simm.s32 $0xF000;
	v3 =	vadd.s32 v1, v3  }
0x80: {  	[tilespmem:s16], [sflag:$0x2] =	stream.indirect_vreg.gather [hbm4b:s5+s3], $0x80, v4, vm0, $0xb8;
	[tilespmem:$0x16000] =	vst v63  }
0x81: {  	s17 =	simm.s32 $0xF800  }
0x82: {  	[tilespmem:s17], [sflag:$0x2] =	stream.indirect_vreg.gather [hbm4b:s6+s3], $0x80, v4, vm0, $0xb8;
	[tilespmem:$0x16000] =	vst v63  }
0x83: {  	s18 =	simm.s32 $0x10000  }
0x84: {  	[tilespmem:s18], [sflag:$0x2] =	stream.indirect_vreg.gather [hbm4b:s2+s3], $0x80, v3, vm0, $0xb8;
	[tilespmem:$0x16000] =	vst v63  }
0x85: {  	s19 =	simm.s32 $0x10800  }
0x86: {  	[tilespmem:s19], [sflag:$0x2] =	stream.indirect_vreg.gather [hbm4b:s5+s3], $0x80, v3, vm0, $0xb8;
	[tilespmem:$0x16000] =	vst v63  }
0x87: {  	s20 =	simm.s32 $0x11000  }
0x88: {  	[tilespmem:s20], [sflag:$0x2] =	stream.indirect_vreg.gather [hbm4b:s6+s3], $0x80, v3, vm0, $0xb8;
	[tilespmem:$0x16000] =	vst v63  }
0x89: {  	v3 =	vld [tilespmem:$0xA0];
	_ =	sdelay $0x4  }
0x8a: {  	v62 =	vshrl.u32 v3, $0x3  }
0x8b: {  	v4 =	vmul.u32 $0x30, v62  }
0x8c: {  	v3 =	vand.u32 $0x7, v3  }
0x8d: {  	v3 =	vor.u32 v3, v4  }
0x8e: {  	v4 =	vperm.xlane v3, v0;
	_ =	sdelay $0x1  }
0x8f: {  	v4 =	vadd.s32 v1, v4;
	_ =	sdelay $0x3  }
0x90: {  	s21 =	simm.s32 $0x11800;
	v3 =	vperm.xlane v3, v2  }
0x91: {  	[tilespmem:s21], [sflag:$0x2] =	stream.indirect_vreg.gather [hbm4b:s2+s3], $0x80, v4, vm0, $0xb8;
	[tilespmem:$0x16000] =	vst v63  }
0x92: {  	s22 =	simm.s32 $0x12000;
	v3 =	vadd.s32 v1, v3  }
0x93: {  	[tilespmem:s22], [sflag:$0x2] =	stream.indirect_vreg.gather [hbm4b:s5+s3], $0x80, v4, vm0, $0xb8;
	[tilespmem:$0x16000] =	vst v63  }
0x94: {  	s23 =	simm.s32 $0x12800  }
0x95: {  	[tilespmem:s23], [sflag:$0x2] =	stream.indirect_vreg.gather [hbm4b:s6+s3], $0x80, v4, vm0, $0xb8;
	[tilespmem:$0x16000] =	vst v63  }
0x96: {  	s24 =	simm.s32 $0x13000  }
0x97: {  	[tilespmem:s24], [sflag:$0x2] =	stream.indirect_vreg.gather [hbm4b:s2+s3], $0x80, v3, vm0, $0xb8;
	[tilespmem:$0x16000] =	vst v63  }
0x98: {  	s25 =	simm.s32 $0x13800  }
0x99: {  	[tilespmem:s25], [sflag:$0x2] =	stream.indirect_vreg.gather [hbm4b:s5+s3], $0x80, v3, vm0, $0xb8;
	[tilespmem:$0x16000] =	vst v63  }
0x9a: {  	s26 =	simm.s32 $0x14000  }
0x9b: {  	[tilespmem:s26], [sflag:$0x2] =	stream.indirect_vreg.gather [hbm4b:s6+s3], $0x80, v3, vm0, $0xb8;
	[tilespmem:$0x16000] =	vst v63  }
0x9c: {  	v3 =	vld.msk [tilespmem:$0xB0], $0xff;
	_ =	sdelay $0x4  }
0x9d: {  	v63 =	vshrl.u32 v3, $0x3  }
0x9e: {  	v4 =	vmul.u32 $0x30, v63  }
0x9f: {  	v3 =	vand.u32 $0x7, v3  }
0xa0: {  	v3 =	vor.u32 v3, v4  }
0xa1: {  	v3 =	vperm.xlane v3, v0;
	_ =	sdelay $0x1  }
0xa2: {  	s1 =	simm.s32 $0x1B0;
	s4 =	simm.s32 $0x0;
	v3 =	vadd.s32 v1, v3  }
0xa3: {  	s8 =	simm.s32 $0x1800;
	s9 =	simm.s32 $0x2000;
	s11 =	simm.s32 $0xB000  }
0xa4: {  	s12 =	simm.s32 $0x3000;
	s13 =	simm.s32 $0x3800;
	s14 =	simm.s32 $0x4000  }
0xa5: {  	s15 =	simm.s32 $0x14800;
	s16 =	simm.s32 $0x5000;
	s17 =	simm.s32 $0x5800  }
0xa6: {  	s18 =	simm.s32 $0x6000;
	s19 =	simm.s32 $0x15000;
	s20 =	simm.s32 $0x7000  }
0xa7: {  	[tilespmem:s15], [sflag:$0x2] =	stream.indirect_vreg.gather [hbm4b:s2+s3], $0x80, v3, vm0, $0xb8;
	[tilespmem:$0x16000] =	vst v63  }
0xa8: {  	s21 =	simm.s32 $0x7800;
	s22 =	simm.s32 $0x8000;
	s23 =	simm.s32 $0x15800  }
0xa9: {  	[tilespmem:s19], [sflag:$0x2] =	stream.indirect_vreg.gather [hbm4b:s5+s3], $0x80, v3, vm0, $0xb8;
	[tilespmem:$0x16000] =	vst v63  }
0xaa: {  	s24 =	simm.s32 $0x9000;
	s25 =	simm.s32 $0x9800;
	s26 =	simm.s32 $0xA000  }
0xab: {  	[tilespmem:s23], [sflag:$0x2] =	stream.indirect_vreg.gather [hbm4b:s6+s3], $0x80, v3, vm0, $0xb8;
	[tilespmem:$0x16000] =	vst v63  }
.LBB2_2:
0xac: {  	_ =	swait.ge [sflag:s28], $0xA800  }
0xad: {  	s7 =	rddreg [dreg:$0x4];
	[sflag:s28] =	ssyncset.done $0x0  }
0xae: {  	s10 =	simm.s32 $0x1000;
	[sflag:s28] =	ssyncadd.s32 $0xFFFF5800;
	s7 =	sadd.s32 s4, s7  }
0xaf: {  	[hbm4b:s7+s3] =	stream.linear.scatter [tilespmem:s10], [sflag:$0x3], $0xA800, $0x38;
	[tilespmem:$0x16000] =	vst v63  }
0xb0: {  	_ =	swait.ge [sflag:s29], $0xA800  }
0xb1: {  	[sflag:s29] =	ssyncset.done $0x0  }
0xb2: {  	[sflag:s29] =	ssyncadd.s32 $0xFFFF5800  }
0xb3: {  	v3 =	vld [tilespmem:s1+$0xFFFFFF50];
	_ =	sdelay $0x4  }
0xb4: {  	v4 =	vshrl.u32 v3, $0x3  }
0xb5: {  	v4 =	vmul.u32 $0x30, v4  }
0xb6: {  	v3 =	vand.u32 $0x7, v3  }
0xb7: {  	v3 =	vor.u32 v3, v4  }
0xb8: {  	v4 =	vperm.xlane v3, v0;
	_ =	sdelay $0x1  }
0xb9: {  	v4 =	vadd.s32 v1, v4;
	_ =	sdelay $0x3  }
0xba: {  	v3 =	vperm.xlane v3, v2  }
0xbb: {  	[tilespmem:s10], [sflag:$0x1] =	stream.indirect_vreg.gather [hbm4b:s2+s3], $0x80, v4, vm0, $0xb8;
	[tilespmem:$0x16000] =	vst v63  }
0xbc: {  	v3 =	vadd.s32 v1, v3  }
0xbd: {  	[tilespmem:s8], [sflag:$0x1] =	stream.indirect_vreg.gather [hbm4b:s5+s3], $0x80, v4, vm0, $0xb8;
	[tilespmem:$0x16000] =	vst v63  }
0xbe: {  	_ = 	snop  }
0xbf: {  	[tilespmem:s9], [sflag:$0x1] =	stream.indirect_vreg.gather [hbm4b:s6+s3], $0x80, v4, vm0, $0xb8;
	[tilespmem:$0x16000] =	vst v63  }
0xc0: {  	s10 =	simm.s32 $0x2800  }
0xc1: {  	[tilespmem:s10], [sflag:$0x1] =	stream.indirect_vreg.gather [hbm4b:s2+s3], $0x80, v3, vm0, $0xb8;
	[tilespmem:$0x16000] =	vst v63  }
0xc2: {  	_ = 	snop  }
0xc3: {  	[tilespmem:s12], [sflag:$0x1] =	stream.indirect_vreg.gather [hbm4b:s5+s3], $0x80, v3, vm0, $0xb8;
	[tilespmem:$0x16000] =	vst v63  }
0xc4: {  	_ = 	snop  }
0xc5: {  	[tilespmem:s13], [sflag:$0x1] =	stream.indirect_vreg.gather [hbm4b:s6+s3], $0x80, v3, vm0, $0xb8;
	[tilespmem:$0x16000] =	vst v63  }
0xc6: {  	v3 =	vld [tilespmem:s1+$0xFFFFFF60];
	_ =	sdelay $0x4  }
0xc7: {  	v57 =	vshrl.u32 v3, $0x3  }
0xc8: {  	v4 =	vmul.u32 $0x30, v57  }
0xc9: {  	v3 =	vand.u32 $0x7, v3  }
0xca: {  	v3 =	vor.u32 v3, v4  }
0xcb: {  	v4 =	vperm.xlane v3, v0;
	_ =	sdelay $0x1  }
0xcc: {  	v4 =	vadd.s32 v1, v4;
	_ =	sdelay $0x3  }
0xcd: {  	v3 =	vperm.xlane v3, v2  }
0xce: {  	[tilespmem:s14], [sflag:$0x1] =	stream.indirect_vreg.gather [hbm4b:s2+s3], $0x80, v4, vm0, $0xb8;
	[tilespmem:$0x16000] =	vst v63  }
0xcf: {  	s10 =	simm.s32 $0x4800;
	v3 =	vadd.s32 v1, v3  }
0xd0: {  	[tilespmem:s10], [sflag:$0x1] =	stream.indirect_vreg.gather [hbm4b:s5+s3], $0x80, v4, vm0, $0xb8;
	[tilespmem:$0x16000] =	vst v63  }
0xd1: {  	_ = 	snop  }
0xd2: {  	[tilespmem:s16], [sflag:$0x1] =	stream.indirect_vreg.gather [hbm4b:s6+s3], $0x80, v4, vm0, $0xb8;
	[tilespmem:$0x16000] =	vst v63  }
0xd3: {  	_ = 	snop  }
0xd4: {  	[tilespmem:s17], [sflag:$0x1] =	stream.indirect_vreg.gather [hbm4b:s2+s3], $0x80, v3, vm0, $0xb8;
	[tilespmem:$0x16000] =	vst v63  }
0xd5: {  	_ = 	snop  }
0xd6: {  	[tilespmem:s18], [sflag:$0x1] =	stream.indirect_vreg.gather [hbm4b:s5+s3], $0x80, v3, vm0, $0xb8;
	[tilespmem:$0x16000] =	vst v63  }
0xd7: {  	s10 =	simm.s32 $0x6800  }
0xd8: {  	[tilespmem:s10], [sflag:$0x1] =	stream.indirect_vreg.gather [hbm4b:s6+s3], $0x80, v3, vm0, $0xb8;
	[tilespmem:$0x16000] =	vst v63  }
0xd9: {  	v3 =	vld [tilespmem:s1+$0xFFFFFF70];
	_ =	sdelay $0x4  }
0xda: {  	v58 =	vshrl.u32 v3, $0x3  }
0xdb: {  	v4 =	vmul.u32 $0x30, v58  }
0xdc: {  	v3 =	vand.u32 $0x7, v3  }
0xdd: {  	v3 =	vor.u32 v3, v4  }
0xde: {  	v4 =	vperm.xlane v3, v0;
	_ =	sdelay $0x1  }
0xdf: {  	v4 =	vadd.s32 v1, v4;
	_ =	sdelay $0x3  }
0xe0: {  	v3 =	vperm.xlane v3, v2  }
0xe1: {  	[tilespmem:s20], [sflag:$0x1] =	stream.indirect_vreg.gather [hbm4b:s2+s3], $0x80, v4, vm0, $0xb8;
	[tilespmem:$0x16000] =	vst v63  }
0xe2: {  	v3 =	vadd.s32 v1, v3  }
0xe3: {  	[tilespmem:s21], [sflag:$0x1] =	stream.indirect_vreg.gather [hbm4b:s5+s3], $0x80, v4, vm0, $0xb8;
	[tilespmem:$0x16000] =	vst v63  }
0xe4: {  	_ = 	snop  }
0xe5: {  	[tilespmem:s22], [sflag:$0x1] =	stream.indirect_vreg.gather [hbm4b:s6+s3], $0x80, v4, vm0, $0xb8;
	[tilespmem:$0x16000] =	vst v63  }
0xe6: {  	s10 =	simm.s32 $0x8800  }
0xe7: {  	[tilespmem:s10], [sflag:$0x1] =	stream.indirect_vreg.gather [hbm4b:s2+s3], $0x80, v3, vm0, $0xb8;
	[tilespmem:$0x16000] =	vst v63  }
0xe8: {  	_ = 	snop  }
0xe9: {  	[tilespmem:s24], [sflag:$0x1] =	stream.indirect_vreg.gather [hbm4b:s5+s3], $0x80, v3, vm0, $0xb8;
	[tilespmem:$0x16000] =	vst v63  }
0xea: {  	_ = 	snop  }
0xeb: {  	[tilespmem:s25], [sflag:$0x1] =	stream.indirect_vreg.gather [hbm4b:s6+s3], $0x80, v3, vm0, $0xb8;
	[tilespmem:$0x16000] =	vst v63  }
0xec: {  	v3 =	vld.msk [tilespmem:s1+$0xFFFFFF80], $0xff;
	_ =	sdelay $0x4  }
0xed: {  	v59 =	vshrl.u32 v3, $0x3  }
0xee: {  	v4 =	vmul.u32 $0x30, v59  }
0xef: {  	v3 =	vand.u32 $0x7, v3  }
0xf0: {  	v3 =	vor.u32 v3, v4  }
0xf1: {  	v3 =	vperm.xlane v3, v0;
	_ =	sdelay $0x1  }
0xf2: {  	v3 =	vadd.s32 v1, v3;
	_ =	sdelay $0x4  }
0xf3: {  	[tilespmem:s26], [sflag:$0x1] =	stream.indirect_vreg.gather [hbm4b:s2+s3], $0x80, v3, vm0, $0xb8;
	[tilespmem:$0x16000] =	vst v63  }
0xf4: {  	s10 =	simm.s32 $0xA800  }
0xf5: {  	[tilespmem:s10], [sflag:$0x1] =	stream.indirect_vreg.gather [hbm4b:s5+s3], $0x80, v3, vm0, $0xb8;
	[tilespmem:$0x16000] =	vst v63  }
0xf6: {  	_ = 	snop  }
0xf7: {  	[tilespmem:s11], [sflag:$0x1] =	stream.indirect_vreg.gather [hbm4b:s6+s3], $0x80, v3, vm0, $0xb8;
	[tilespmem:$0x16000] =	vst v63  }
0xf8: {  	_ =	swait.ge [sflag:s30], $0xA800  }
0xf9: {  	[sflag:s30] =	ssyncset.done $0x0  }
0xfa: {  	s7 =	sadd.s32 $0x1500, s7;
	s10 =	simm.s32 $0xB800;
	[sflag:s30] =	ssyncadd.s32 $0xFFFF5800  }
0xfb: {  	[hbm4b:s7+s3] =	stream.linear.scatter [tilespmem:s10], [sflag:$0x4], $0xA800, $0x38;
	[tilespmem:$0x16000] =	vst v63  }
0xfc: {  	_ =	swait.ge [sflag:s31], $0xA800  }
0xfd: {  	[sflag:s31] =	ssyncset.done $0x0  }
0xfe: {  	[sflag:s31] =	ssyncadd.s32 $0xFFFF5800  }
0xff: {  	v3 =	vld [tilespmem:s1+$0xFFFFFFD0];
	_ =	sdelay $0x4  }
0x100: {  	v60 =	vshrl.u32 v3, $0x3  }
0x101: {  	v4 =	vmul.u32 $0x30, v60  }
0x102: {  	v3 =	vand.u32 $0x7, v3  }
0x103: {  	v3 =	vor.u32 v3, v4  }
0x104: {  	v4 =	vperm.xlane v3, v0;
	_ =	sdelay $0x1  }
0x105: {  	v4 =	vadd.s32 v1, v4;
	_ =	sdelay $0x3  }
0x106: {  	v3 =	vperm.xlane v3, v2  }
0x107: {  	[tilespmem:s10], [sflag:$0x2] =	stream.indirect_vreg.gather [hbm4b:s2+s3], $0x80, v4, vm0, $0xb8;
	[tilespmem:$0x16000] =	vst v63  }
0x108: {  	v3 =	vadd.s32 v1, v3;
	s10 =	simm.s32 $0xC000  }
0x109: {  	[tilespmem:s10], [sflag:$0x2] =	stream.indirect_vreg.gather [hbm4b:s5+s3], $0x80, v4, vm0, $0xb8;
	[tilespmem:$0x16000] =	vst v63  }
0x10a: {  	s10 =	simm.s32 $0xC800  }
0x10b: {  	[tilespmem:s10], [sflag:$0x2] =	stream.indirect_vreg.gather [hbm4b:s6+s3], $0x80, v4, vm0, $0xb8;
	[tilespmem:$0x16000] =	vst v63  }
0x10c: {  	s10 =	simm.s32 $0xD000  }
0x10d: {  	[tilespmem:s10], [sflag:$0x2] =	stream.indirect_vreg.gather [hbm4b:s2+s3], $0x80, v3, vm0, $0xb8;
	[tilespmem:$0x16000] =	vst v63  }
0x10e: {  	s10 =	simm.s32 $0xD800  }
0x10f: {  	[tilespmem:s10], [sflag:$0x2] =	stream.indirect_vreg.gather [hbm4b:s5+s3], $0x80, v3, vm0, $0xb8;
	[tilespmem:$0x16000] =	vst v63  }
0x110: {  	s10 =	simm.s32 $0xE000  }
0x111: {  	[tilespmem:s10], [sflag:$0x2] =	stream.indirect_vreg.gather [hbm4b:s6+s3], $0x80, v3, vm0, $0xb8;
	[tilespmem:$0x16000] =	vst v63  }
0x112: {  	v3 =	vld [tilespmem:s1+$0xFFFFFFE0];
	_ =	sdelay $0x4  }
0x113: {  	v61 =	vshrl.u32 v3, $0x3  }
0x114: {  	v4 =	vmul.u32 $0x30, v61  }
0x115: {  	v3 =	vand.u32 $0x7, v3  }
0x116: {  	v3 =	vor.u32 v3, v4  }
0x117: {  	v4 =	vperm.xlane v3, v0;
	_ =	sdelay $0x1  }
0x118: {  	v4 =	vadd.s32 v1, v4;
	_ =	sdelay $0x3  }
0x119: {  	s10 =	simm.s32 $0xE800;
	v3 =	vperm.xlane v3, v2  }
0x11a: {  	[tilespmem:s10], [sflag:$0x2] =	stream.indirect_vreg.gather [hbm4b:s2+s3], $0x80, v4, vm0, $0xb8;
	[tilespmem:$0x16000] =	vst v63  }
0x11b: {  	v3 =	vadd.s32 v1, v3;
	s10 =	simm.s32 $0xF000  }
0x11c: {  	[tilespmem:s10], [sflag:$0x2] =	stream.indirect_vreg.gather [hbm4b:s5+s3], $0x80, v4, vm0, $0xb8;
	[tilespmem:$0x16000] =	vst v63  }
0x11d: {  	s10 =	simm.s32 $0xF800  }
0x11e: {  	[tilespmem:s10], [sflag:$0x2] =	stream.indirect_vreg.gather [hbm4b:s6+s3], $0x80, v4, vm0, $0xb8;
	[tilespmem:$0x16000] =	vst v63  }
0x11f: {  	s10 =	simm.s32 $0x10000  }
0x120: {  	[tilespmem:s10], [sflag:$0x2] =	stream.indirect_vreg.gather [hbm4b:s2+s3], $0x80, v3, vm0, $0xb8;
	[tilespmem:$0x16000] =	vst v63  }
0x121: {  	s10 =	simm.s32 $0x10800  }
0x122: {  	[tilespmem:s10], [sflag:$0x2] =	stream.indirect_vreg.gather [hbm4b:s5+s3], $0x80, v3, vm0, $0xb8;
	[tilespmem:$0x16000] =	vst v63  }
0x123: {  	s10 =	simm.s32 $0x11000  }
0x124: {  	[tilespmem:s10], [sflag:$0x2] =	stream.indirect_vreg.gather [hbm4b:s6+s3], $0x80, v3, vm0, $0xb8;
	[tilespmem:$0x16000] =	vst v63  }
0x125: {  	v3 =	vld [tilespmem:s1+$0xFFFFFFF0];
	_ =	sdelay $0x4  }
0x126: {  	v62 =	vshrl.u32 v3, $0x3  }
0x127: {  	v4 =	vmul.u32 $0x30, v62  }
0x128: {  	v3 =	vand.u32 $0x7, v3  }
0x129: {  	v3 =	vor.u32 v3, v4  }
0x12a: {  	v4 =	vperm.xlane v3, v0;
	_ =	sdelay $0x1  }
0x12b: {  	v4 =	vadd.s32 v1, v4;
	_ =	sdelay $0x3  }
0x12c: {  	s10 =	simm.s32 $0x11800;
	v3 =	vperm.xlane v3, v2  }
0x12d: {  	[tilespmem:s10], [sflag:$0x2] =	stream.indirect_vreg.gather [hbm4b:s2+s3], $0x80, v4, vm0, $0xb8;
	[tilespmem:$0x16000] =	vst v63  }
0x12e: {  	v3 =	vadd.s32 v1, v3;
	s10 =	simm.s32 $0x12000  }
0x12f: {  	[tilespmem:s10], [sflag:$0x2] =	stream.indirect_vreg.gather [hbm4b:s5+s3], $0x80, v4, vm0, $0xb8;
	[tilespmem:$0x16000] =	vst v63  }
0x130: {  	s10 =	simm.s32 $0x12800  }
0x131: {  	[tilespmem:s10], [sflag:$0x2] =	stream.indirect_vreg.gather [hbm4b:s6+s3], $0x80, v4, vm0, $0xb8;
	[tilespmem:$0x16000] =	vst v63  }
0x132: {  	s10 =	simm.s32 $0x13000  }
0x133: {  	[tilespmem:s10], [sflag:$0x2] =	stream.indirect_vreg.gather [hbm4b:s2+s3], $0x80, v3, vm0, $0xb8;
	[tilespmem:$0x16000] =	vst v63  }
0x134: {  	s10 =	simm.s32 $0x13800  }
0x135: {  	[tilespmem:s10], [sflag:$0x2] =	stream.indirect_vreg.gather [hbm4b:s5+s3], $0x80, v3, vm0, $0xb8;
	[tilespmem:$0x16000] =	vst v63  }
0x136: {  	s10 =	simm.s32 $0x14000  }
0x137: {  	[tilespmem:s10], [sflag:$0x2] =	stream.indirect_vreg.gather [hbm4b:s6+s3], $0x80, v3, vm0, $0xb8;
	[tilespmem:$0x16000] =	vst v63  }
0x138: {  	v3 =	vld.msk [tilespmem:s1+$0x0], $0xff;
	_ =	sdelay $0x4  }
0x139: {  	v63 =	vshrl.u32 v3, $0x3  }
0x13a: {  	v4 =	vmul.u32 $0x30, v63  }
0x13b: {  	v3 =	vand.u32 $0x7, v3  }
0x13c: {  	v3 =	vor.u32 v3, v4  }
0x13d: {  	v3 =	vperm.xlane v3, v0;
	_ =	sdelay $0x1  }
0x13e: {  	v3 =	vadd.s32 v1, v3;
	_ =	sdelay $0x3  }
0x13f: {  	p0 =	sne.s32 s4, $0x24C00  }
0x140: {  	[tilespmem:s15], [sflag:$0x2] =	stream.indirect_vreg.gather [hbm4b:s2+s3], $0x80, v3, vm0, $0xb8;
	[tilespmem:$0x16000] =	vst v63  }
.Ltmp0:
0x141: {  	_ = 	snop;
	(pc) =	sbr.rel @p0 .LBB2_2-.Ltmp0, $4  }
0x142: {  	s0 =	simm.s32 $0x1000  }
0x143: {  	[tilespmem:s19], [sflag:$0x2] =	stream.indirect_vreg.gather [hbm4b:s5+s3], $0x80, v3, vm0, $0xb8;
	[tilespmem:$0x16000] =	vst v63  }
0x144: {  	s4 =	sadd.s32 $0x2A00, s4;
	s7 =	simm.s32 $0xB800;
	s1 =	sadd.s32 $0x100, s1  }
0x145: {  	[tilespmem:s23], [sflag:$0x2] =	stream.indirect_vreg.gather [hbm4b:s6+s3], $0x80, v3, vm0, $0xb8;
	[tilespmem:$0x16000] =	vst v63  }
0x146: {  	_ =	swait.ge [sflag:s28], $0xA800  }
0x147: {  	[sflag:s28] =	ssyncset.done $0x0  }
0x148: {  	s1 =	rddreg [dreg:$0x6];
	[sflag:s28] =	ssyncadd.s32 $0xFFFF5800  }
0x149: {  	[hbm4b:s1+s3] =	stream.linear.scatter [tilespmem:s0], [sflag:$0x3], $0xA800, $0x38;
	[tilespmem:$0x16000] =	vst v63  }
0x14a: {  	_ =	swait.ge [sflag:s29], $0xA800  }
0x14b: {  	[sflag:s29] =	ssyncset.done $0x0  }
0x14c: {  	[sflag:s29] =	ssyncadd.s32 $0xFFFF5800  }
0x14d: {  	_ =	swait.ge [sflag:s30], $0xA800  }
0x14e: {  	s8 =	simm.s32 $0x2800;
	[sflag:s30] =	ssyncset.done $0x0  }
0x14f: {  	s9 =	simm.s32 $0x3000;
	s25 =	rddreg [dreg:$0x7];
	[sflag:s30] =	ssyncadd.s32 $0xFFFF5800  }
0x150: {  	[hbm4b:s25+s3] =	stream.linear.scatter [tilespmem:s7], [sflag:$0x4], $0xA800, $0x38;
	[tilespmem:$0x16000] =	vst v63  }
0x151: {  	s10 =	simm.s32 $0x3800;
	s12 =	simm.s32 $0x4000;
	_ =	swait.ge [sflag:s31], $0xA800  }
0x152: {  	s13 =	simm.s32 $0x4800;
	s14 =	simm.s32 $0x5000;
	s4 =	rddreg [dreg:$0x9]  }
0x153: {  	s15 =	simm.s32 $0x5800;
	s26 =	rddreg [dreg:$0x8];
	s4 =	sadd.s32 $0x1, s4  }
0x154: {  	s16 =	simm.s32 $0x6000;
	s17 =	simm.s32 $0x6800;
	p0 =	sne.s32 s4, s26  }
.Ltmp1:
0x155: {  	s18 =	simm.s32 $0x7000;
	s19 =	simm.s32 $0x7800;
	(pc) =	sbr.rel @p0 .LBB2_1-.Ltmp1, $4  }
0x156: {  	s20 =	simm.s32 $0x8000;
	s21 =	simm.s32 $0x8800;
	s22 =	simm.s32 $0x9000  }
0x157: {  	s23 =	simm.s32 $0x9800;
	s24 =	simm.s32 $0xA000;
	[sflag:s31] =	ssyncset.done $0x0  }
0x158: {  	s11 =	simm.s32 $0xA800;
	s25 =	simm.s32 $0x2000;
	[sflag:s31] =	ssyncadd.s32 $0xFFFF5800  }
0x159: {  	[dreg:$0x9] =	wrdreg s4;
	s4 =	simm.s32 $0x1800;
	s26 =	simm.s32 $0xB000  }
0x15a: {  	_ =	sfence.sel $0x180000  }
0x15b: {  	[bflag:$0x0] =	sbarrier.arrive $0xFFFF  }
0x15c: {  	_ =	strace $0x90000047  }
0x15d: {  	s0 =	stileid.u32;
	[bflag:$0x2] =	sbarrier.arrive $0xFFFF  }
0x15e: {  	p0 =	sne.s32 s0, $0x0;
	s0 =	rddreg [dreg:$0x3]  }
0x15f: {  	s0 =	sadd.s32 @!p0 $0x100000, s0  }
0x160: {  	[sflag:s0] =	ssyncadd.tile.s32 @!p0 $0x1;
	_ =	shalt  }
.Lfunc_end2:
_tile_overlayer_lowered:
.L_overlay_start_2:
0x161: {  	(tag) =	ssettag $0x2  }
0x162: {  	s0 =	rddreg [dreg:$0x0];
	s2 =	stileid.u32  }
0x163: {  	s1 =	rddreg [dreg:$0x1];
	p0 =	sne.s32 s2, $0x0  }
0x164: {  	s3 =	rddreg [dreg:$0x2];
	[bflag:$0x3] =	sbarrier.arrive $0xFFFF;
	s2 =	simm.s32 @!p0 $0x1C05  }
0x165: {  	[timem:s3], [sflag:s2] =	dma.local @!p0 [hbm:s0], s1  }
0x166: {  	s0 =	simm.s32 @!p0 $0x5  }
0x167: {  	_ =	swait.ge @!p0 [sflag:s0], s1  }
0x168: {  	s1 =	ssub.s32 @!p0 $0x0, s1;
	[sflag:s0] =	ssyncset.done @!p0 $0x0  }
0x169: {  	[sflag:s0] =	ssyncadd.s32 @!p0 s1  }
0x16a: {  	[bflag:$0x3] =	sbarrier.arrive $0xFFFF  }
0x16b: {  	_ =	shalt  }

</sc_bundles>
